<compile_context>
chip_gen: v7x
topology: tpu7x:2x2x1
jax: 0.10.2.dev20260603
libtpu: 0.0.44.dev20260713+nightly
codegen_flags: <defaults>
</compile_context>

<pallas_src>
import functools

import jax
import jax.numpy as jnp
from jax import lax
from jax.experimental import pallas as pl
from jax.experimental.pallas import tpu as pltpu
from jax.experimental.pallas import tpu_sc as plsc

N = 10000
D = 128
E = 320000

NC = 2
NS = 16
NW = NC * NS
NP = 10240
EB = 128
CPT = 80
CHUNKS = NW * CPT
EP = CHUNKS * EB
RPT = NP // NS
DW = 128

_MESH = plsc.VectorSubcoreMesh(core_axis_name="c", subcore_axis_name="s")


@functools.partial(
    pl.kernel,
    out_type=jax.ShapeDtypeStruct((NC * NP, DW), jnp.float32),
    mesh=_MESH,
    scratch_types=[
        pltpu.VMEM((CPT, EB), jnp.int32),
        pltpu.VMEM((EB, DW), jnp.float32),
        pltpu.VMEM_SHARED((NP, DW), jnp.float32),
        pltpu.SemaphoreType.DMA,
    ],
)
def _deg_kernel(dst_hbm, ones_hbm, zeros_hbm, deg_out, dst_v, ones_v, acc,
                dsem):
    cid = lax.axis_index("c")
    sid = lax.axis_index("s")
    wid = sid * NC + cid
    pltpu.sync_copy(zeros_hbm.at[pl.ds(sid * RPT, RPT)],
                    acc.at[pl.ds(sid * RPT, RPT)])
    pltpu.sync_copy(ones_hbm, ones_v)
    pltpu.sync_copy(dst_hbm.at[pl.ds(wid * CPT, CPT)], dst_v)
    plsc.subcore_barrier()

    @pl.loop(0, CPT)
    def _(j):
        pltpu.sync_copy(ones_v, acc.at[dst_v.at[j]], add=True)

    plsc.subcore_barrier()
    pltpu.sync_copy(acc.at[pl.ds(sid * RPT, RPT)],
                    deg_out.at[pl.ds(cid * NP + sid * RPT, RPT)])


NB = 2
IB = 32
CPT0 = 128
CPT1 = 32


@functools.partial(
    pl.kernel,
    out_type=jax.ShapeDtypeStruct((NC * NP, D), jnp.float32),
    mesh=_MESH,
    scratch_types=[
        pltpu.VMEM((IB, EB), jnp.int32),
        pltpu.VMEM((IB, EB), jnp.int32),
        pltpu.VMEM((NB, EB, D), jnp.float32),
        pltpu.VMEM_SHARED((NP, D), jnp.float32),
        pltpu.SemaphoreType.DMA,
        pltpu.SemaphoreType.DMA,
        pltpu.SemaphoreType.DMA,
        pltpu.SemaphoreType.DMA,
    ],
)
def _agg_kernel(src_hbm, dst_hbm, y_hbm, zeros_hbm, agg_out,
                si_v, di_v, rows_v, acc, gs0, gs1, ss0, ss1):
    gsem = [gs0, gs1]
    ssem = [ss0, ss1]
    cid = lax.axis_index("c")
    sid = lax.axis_index("s")
    cptw = jnp.where(cid == 0, CPT0, CPT1)
    cbase = jnp.where(cid == 0, sid * CPT0, NS * CPT0 + sid * CPT1)
    pltpu.sync_copy(zeros_hbm.at[pl.ds(sid * RPT, RPT)],
                    acc.at[pl.ds(sid * RPT, RPT)])
    plsc.subcore_barrier()

    @pl.loop(0, cptw // IB)
    def _(blk):
        base = cbase + blk * IB
        pltpu.sync_copy(src_hbm.at[pl.ds(base, IB)], si_v)
        pltpu.sync_copy(dst_hbm.at[pl.ds(base, IB)], di_v)
        pltpu.async_copy(y_hbm.at[si_v.at[0]], rows_v.at[0], gsem[0])

        @pl.loop(0, IB, step=NB)
        def _(g):
            for b in range(NB):
                jj = g + b
                nxt = jj + 1
                bn = 1 - b

                @pl.when(jnp.logical_and(nxt >= 2, nxt < IB))
                def _():
                    pltpu.make_async_copy(rows_v.at[bn],
                                          acc.at[di_v.at[nxt - 2]],
                                          ssem[bn]).wait()
                    pltpu.async_copy(y_hbm.at[si_v.at[nxt]], rows_v.at[bn],
                                     gsem[bn])

                @pl.when(nxt == 1)
                def _():
                    pltpu.async_copy(y_hbm.at[si_v.at[nxt]], rows_v.at[bn],
                                     gsem[bn])

                pltpu.make_async_copy(y_hbm.at[si_v.at[jj]], rows_v.at[b],
                                      gsem[b]).wait()
                pltpu.async_copy(rows_v.at[b], acc.at[di_v.at[jj]], ssem[b],
                                 add=True)

        for b in range(NB):
            pltpu.make_async_copy(rows_v.at[b],
                                  acc.at[di_v.at[IB - NB + b]],
                                  ssem[b]).wait()

    plsc.subcore_barrier()
    pltpu.sync_copy(acc.at[pl.ds(sid * RPT, RPT)],
                    agg_out.at[pl.ds(cid * NP + sid * RPT, RPT)])


def _mm_body(x_ref, w_ref, dg0_ref, dg1_ref, y_ref):
    deg = dg0_ref[:, 0:1] + dg1_ref[:, 0:1] + 1.0
    dinv = lax.rsqrt(deg)
    xw = jnp.dot(x_ref[...], w_ref[...], preferred_element_type=jnp.float32)
    y_ref[...] = xw * dinv


def _final_body(a0_ref, a1_ref, y_ref, dg0_ref, dg1_ref, b_ref,
                wt_ref, t_ref, o_ref):
    deg = dg0_ref[:, 0:1] + dg1_ref[:, 0:1] + 1.0
    dinv = lax.rsqrt(deg)
    out = dinv * (a0_ref[...] + a1_ref[...] + y_ref[...]) + b_ref[...]
    t = t_ref[0]
    s = out / t
    m = jnp.max(s, axis=1, keepdims=True)
    e = jnp.exp(s - m)
    z = jnp.sum(e, axis=1, keepdims=True)
    p = e / z
    logp = jnp.log(p + 1e-12)
    h = -jnp.sum(p * logp, axis=1, keepdims=True)
    eg = -(p * (logp + h)) / t
    o_ref[...] = out + wt_ref[0] * eg


_RB = 1000


def kernel(x, edge_index, W, b, weight, temperature):
    ei = edge_index.astype(jnp.int32)
    pad = jnp.full((2, EP - E), N, jnp.int32)
    eip = jnp.concatenate([ei, pad], axis=1)
    src2d = eip[0].reshape(CHUNKS, EB)
    dst2d = eip[1].reshape(CHUNKS, EB)
    ones8 = jnp.ones((EB, DW), jnp.float32)
    zeros8 = jnp.zeros((NP, DW), jnp.float32)
    zerosD = jnp.zeros((NP, D), jnp.float32)

    deg_part = _deg_kernel(dst2d, ones8, zeros8)
    dg0, dg1 = deg_part[:N], deg_part[NP:NP + N]

    y = pl.pallas_call(
        _mm_body,
        grid=(N // _RB,),
        in_specs=[
            pl.BlockSpec((_RB, D), lambda i: (i, 0)),
            pl.BlockSpec((D, D), lambda i: (0, 0)),
            pl.BlockSpec((_RB, DW), lambda i: (i, 0)),
            pl.BlockSpec((_RB, DW), lambda i: (i, 0)),
        ],
        out_specs=pl.BlockSpec((_RB, D), lambda i: (i, 0)),
        out_shape=jax.ShapeDtypeStruct((N, D), jnp.float32),
    )(x, W, dg0, dg1)

    y_pad = jnp.concatenate([y, jnp.zeros((NP - N, D), jnp.float32)])
    agg_part = _agg_kernel(src2d, dst2d, y_pad, zerosD)
    a0, a1 = agg_part[:N], agg_part[NP:NP + N]

    out = pl.pallas_call(
        _final_body,
        grid=(N // _RB,),
        in_specs=[
            pl.BlockSpec((_RB, D), lambda i: (i, 0)),
            pl.BlockSpec((_RB, D), lambda i: (i, 0)),
            pl.BlockSpec((_RB, D), lambda i: (i, 0)),
            pl.BlockSpec((_RB, DW), lambda i: (i, 0)),
            pl.BlockSpec((_RB, DW), lambda i: (i, 0)),
            pl.BlockSpec((1, D), lambda i: (0, 0)),
            pl.BlockSpec(memory_space=pltpu.SMEM),
            pl.BlockSpec(memory_space=pltpu.SMEM),
        ],
        out_specs=pl.BlockSpec((_RB, D), lambda i: (i, 0)),
        out_shape=jax.ShapeDtypeStruct((N, D), jnp.float32),
    )(a0, a1, y, dg0, dg1, b.reshape(1, D),
      weight.reshape(1), temperature.reshape(1))
    return out

# --- scband reference (transcript-rebuilt; emitter-appended) ---
"""Pipeline reference for scband-entropic-layer-81509889343814 (READ-ONLY COPY).

The authoritative reference and input builder live on the scoring server;
editing this copy changes nothing except your own understanding.
"""

import jax, jax.numpy as jnp
import numpy as np


def gradient_entropy(x, temperature):
    # d/dx of H(softmax(x/T)) computed in closed form:
    # grad_k = -(p_k / T) * (log p_k + H)
    p = jax.nn.softmax(x / temperature, axis=-1)
    logp = jnp.log(p + 1e-12)
    H = -jnp.sum(p * logp, axis=-1, keepdims=True)
    return -(p * (logp + H)) / temperature


def gcn_conv(x, edge_index, W, b):
    # Faithful GCNConv: add self-loops, symmetric degree normalization,
    # linear transform, scatter-add aggregation over dst nodes, bias.
    N = x.shape[0]
    loop = jnp.arange(N, dtype=edge_index.dtype)
    src = jnp.concatenate([edge_index[0], loop])
    dst = jnp.concatenate([edge_index[1], loop])
    xw = x @ W
    deg = jnp.zeros((N,), dtype=x.dtype).at[dst].add(1.0)
    deg_inv_sqrt = jnp.where(deg > 0, deg ** -0.5, 0.0)
    norm = deg_inv_sqrt[src] * deg_inv_sqrt[dst]
    msg = xw[src] * norm[:, None]
    out = jnp.zeros_like(xw).at[dst].add(msg)
    return out + b


def setup_inputs(seed: int = 0) -> dict:
    key = jax.random.key(seed)
    k1, k2, k3 = jax.random.split(key, 3)
    N, D, E = 10000, 128, 320000
    x = jax.random.normal(k1, (N, D), dtype=jnp.float32)
    edge_index = jax.random.randint(k2, (2, E), 0, N)
    W = jax.random.normal(k3, (D, D), dtype=jnp.float32) * (1.0 / np.sqrt(D))
    b = jnp.zeros((D,), dtype=jnp.float32)
    weight = jnp.float32(0.1)
    temperature = jnp.float32(1.0)
    return {"x": x, "edge_index": edge_index, "W": W, "b": b, "weight": weight, "temperature": temperature}


def reference(x, edge_index, W, b, weight, temperature):
    out = gcn_conv(x, edge_index, W, b)
    # original code computes entropy gradient under torch.no_grad()
    eg = jax.lax.stop_gradient(gradient_entropy(out, temperature))
    return out + weight * eg

if __name__ == "__main__":
    import jax
    _d = setup_inputs()
    print(jax.jit(kernel)(*tuple(_d.values())))

</pallas_src>

<mosaic_0001>
#map = affine_map<(d0, d1) -> (0, 0)>
module attributes {stable_mosaic.version = 14 : i64} {
  func.func @_deg_kernel(%arg0: i32, %arg1: i32, %arg2: memref<2560x128xi32, #tpu.memory_space<hbm>>, %arg3: memref<128x128xf32, #tpu.memory_space<hbm>>, %arg4: memref<10240x128xf32, #tpu.memory_space<hbm>>, %arg5: memref<20480x128xf32, #tpu.memory_space<hbm>>, %arg6: memref<80x128xi32, #tpu.memory_space<vmem>>, %arg7: memref<128x128xf32, #tpu.memory_space<vmem>>, %arg8: memref<10240x128xf32, #tpu.memory_space<vmem_shared>>, %arg9: memref<!tpu.dma_semaphore, #tpu.memory_space<semaphore_mem>>) attributes {dimension_semantics = [#tpu.dimension_semantics<core_parallel>, #tpu.dimension_semantics<subcore_parallel>], iteration_bounds = array<i64: 2, 16>, scalar_prefetch = 0 : i64, scratch_operands = 4 : i64, tpu.core_type = #tpu.core_type<sc_vector_subcore>, window_params = [{transform_indices = #map}, {transform_indices = #map}, {transform_indices = #map}, {transform_indices = #map}]} {
    %mul3A = arith.constant 2 : i32
    %mul3A_0 = arith.muli %arg1, %mul3A : i32
    %add3A = arith.addi %mul3A_0, %arg0 : i32
    %mul3A_1 = arith.constant 640 : i32
    %mul3A_2 = arith.muli %arg1, %mul3A_1 : i32
    %mul3A_3 = arith.constant 640 : i32
    %mul3A_4 = arith.muli %arg1, %mul3A_3 : i32
    "tpu.region"() ({
      %run_scoped3A = tpu.sem_alloc : memref<!tpu.dma_semaphore, #tpu.memory_space<semaphore_mem>>
      %dma_start3A = arith.constant 0 : i32
      %dma_start3A_19 = tpu.memref_slice %arg8[%mul3A_4, %dma_start3A] : memref<10240x128xf32, #tpu.memory_space<vmem_shared>> -> memref<640x128xf32, #tpu.memory_space<vmem_shared>>
      %dma_start3A_20 = arith.constant 0 : i32
      %dma_start3A_21 = tpu.memref_slice %arg4[%mul3A_2, %dma_start3A_20] : memref<10240x128xf32, #tpu.memory_space<hbm>> -> memref<640x128xf32, #tpu.memory_space<hbm>>
      tpu.enqueue_dma source(%dma_start3A_21 : memref<640x128xf32, #tpu.memory_space<hbm>>) target(%dma_start3A_19 : memref<640x128xf32, #tpu.memory_space<vmem_shared>>) target_semaphore(%run_scoped3A : memref<!tpu.dma_semaphore, #tpu.memory_space<semaphore_mem>>)
      %dma_wait3A = arith.constant 0 : i32
      %dma_wait3A_22 = tpu.memref_slice %arg8[%mul3A_4, %dma_wait3A] : memref<10240x128xf32, #tpu.memory_space<vmem_shared>> -> memref<640x128xf32, #tpu.memory_space<vmem_shared>>
      %dma_wait3A_23 = arith.constant 0 : i32
      %dma_wait3A_24 = tpu.memref_slice %arg4[%mul3A_2, %dma_wait3A_23] : memref<10240x128xf32, #tpu.memory_space<hbm>> -> memref<640x128xf32, #tpu.memory_space<hbm>>
      tpu.wait_dma2 semaphore(%run_scoped3A : memref<!tpu.dma_semaphore, #tpu.memory_space<semaphore_mem>>) src(%dma_wait3A_24 : memref<640x128xf32, #tpu.memory_space<hbm>>) dst(%dma_wait3A_22 : memref<640x128xf32, #tpu.memory_space<vmem_shared>>)
      tpu.yield
    }) : () -> ()
    "tpu.region"() ({
      %run_scoped3A = tpu.sem_alloc : memref<!tpu.dma_semaphore, #tpu.memory_space<semaphore_mem>>
      tpu.enqueue_dma source(%arg3 : memref<128x128xf32, #tpu.memory_space<hbm>>) target(%arg7 : memref<128x128xf32, #tpu.memory_space<vmem>>) target_semaphore(%run_scoped3A : memref<!tpu.dma_semaphore, #tpu.memory_space<semaphore_mem>>)
      tpu.wait_dma2 semaphore(%run_scoped3A : memref<!tpu.dma_semaphore, #tpu.memory_space<semaphore_mem>>) src(%arg3 : memref<128x128xf32, #tpu.memory_space<hbm>>) dst(%arg7 : memref<128x128xf32, #tpu.memory_space<vmem>>)
      tpu.yield
    }) : () -> ()
    %mul3A_5 = arith.constant 80 : i32
    %mul3A_6 = arith.muli %add3A, %mul3A_5 : i32
    "tpu.region"() ({
      %run_scoped3A = tpu.sem_alloc : memref<!tpu.dma_semaphore, #tpu.memory_space<semaphore_mem>>
      %dma_start3A = arith.constant 0 : i32
      %dma_start3A_19 = tpu.memref_slice %arg2[%mul3A_6, %dma_start3A] : memref<2560x128xi32, #tpu.memory_space<hbm>> -> memref<80x128xi32, #tpu.memory_space<hbm>>
      %dma_start3A_20 = arith.constant 0 : i32
      %dma_start3A_21 = tpu.memref_slice %arg2[%mul3A_6, %dma_start3A_20] : memref<2560x128xi32, #tpu.memory_space<hbm>> -> memref<80x128xi32, #tpu.memory_space<hbm>>
      tpu.enqueue_dma source(%dma_start3A_21 : memref<80x128xi32, #tpu.memory_space<hbm>>) target(%arg6 : memref<80x128xi32, #tpu.memory_space<vmem>>) target_semaphore(%run_scoped3A : memref<!tpu.dma_semaphore, #tpu.memory_space<semaphore_mem>>)
      %dma_wait3A = arith.constant 0 : i32
      %dma_wait3A_22 = tpu.memref_slice %arg2[%mul3A_6, %dma_wait3A] : memref<2560x128xi32, #tpu.memory_space<hbm>> -> memref<80x128xi32, #tpu.memory_space<hbm>>
      %dma_wait3A_23 = arith.constant 0 : i32
      %dma_wait3A_24 = tpu.memref_slice %arg2[%mul3A_6, %dma_wait3A_23] : memref<2560x128xi32, #tpu.memory_space<hbm>> -> memref<80x128xi32, #tpu.memory_space<hbm>>
      tpu.wait_dma2 semaphore(%run_scoped3A : memref<!tpu.dma_semaphore, #tpu.memory_space<semaphore_mem>>) src(%dma_wait3A_24 : memref<80x128xi32, #tpu.memory_space<hbm>>) dst(%arg6 : memref<80x128xi32, #tpu.memory_space<vmem>>)
      tpu.yield
    }) : () -> ()
    %barrier3A = arith.constant 0 : index
    tpu.barrier barrier_id(%barrier3A)
    %scan3A = arith.constant 0 : i32
    %scan3A_7 = arith.constant 80 : i32
    %scan3A_8 = arith.addi %scan3A, %scan3A_7 : i32
    %scan3A_9 = arith.constant 1 : i32
    scf.for %scan3A_19 = %scan3A to %scan3A_8 step %scan3A_9  : i32 {
      %mul3A_20 = arith.constant 1 : i32
      %mul3A_21 = arith.muli %scan3A_19, %mul3A_20 : i32
      %add3A_22 = arith.constant 0 : i32
      %add3A_23 = arith.addi %add3A_22, %mul3A_21 : i32
      "tpu.region"() ({
        %run_scoped3A = tpu.sem_alloc : memref<!tpu.dma_semaphore, #tpu.memory_space<semaphore_mem>>
        %dma_start3A = arith.constant 0 : i32
        %dma_start3A_24 = tpu.memref_slice %arg6[%add3A_23, %dma_start3A] : memref<80x128xi32, #tpu.memory_space<vmem>> -> memref<1x128xi32, #tpu.memory_space<vmem>>
        %dma_start3A_25 = tpu.memref_squeeze %dma_start3A_24 : memref<1x128xi32, #tpu.memory_space<vmem>> -> memref<128xi32, #tpu.memory_space<vmem>>
        %dma_start3A_26 = arith.constant 0 : i32
        %dma_start3A_27 = arith.constant 0 : i32
        %dma_start3A_28 = tpu.memref_slice %arg8[%dma_start3A_26, %dma_start3A_27] : memref<10240x128xf32, #tpu.memory_space<vmem_shared>> -> memref<10240x128xf32, #tpu.memory_space<vmem_shared>>
        tpu.enqueue_indirect_dma source(%arg7 : memref<128x128xf32, #tpu.memory_space<vmem>>) target(%dma_start3A_28 : memref<10240x128xf32, #tpu.memory_space<vmem_shared>>) offsets(%dma_start3A_25 : memref<128xi32, #tpu.memory_space<vmem>>) semaphore(%run_scoped3A : memref<!tpu.dma_semaphore, #tpu.memory_space<semaphore_mem>>) {add = true}
        %dma_wait3A = arith.constant 0 : i32
        %dma_wait3A_29 = tpu.memref_slice %arg6[%add3A_23, %dma_wait3A] : memref<80x128xi32, #tpu.memory_space<vmem>> -> memref<1x128xi32, #tpu.memory_space<vmem>>
        %dma_wait3A_30 = tpu.memref_squeeze %dma_wait3A_29 : memref<1x128xi32, #tpu.memory_space<vmem>> -> memref<128xi32, #tpu.memory_space<vmem>>
        %dma_wait3A_31 = arith.constant 0 : i32
        %dma_wait3A_32 = arith.constant 0 : i32
        %dma_wait3A_33 = tpu.memref_slice %arg8[%dma_wait3A_31, %dma_wait3A_32] : memref<10240x128xf32, #tpu.memory_space<vmem_shared>> -> memref<10240x128xf32, #tpu.memory_space<vmem_shared>>
        tpu.wait_indirect_dma semaphore(%run_scoped3A : memref<!tpu.dma_semaphore, #tpu.memory_space<semaphore_mem>>) src(%arg7 : memref<128x128xf32, #tpu.memory_space<vmem>>) dst(%dma_wait3A_33 : memref<10240x128xf32, #tpu.memory_space<vmem_shared>>)
        tpu.yield
      }) : () -> ()
    }
    %scan3A_10 = arith.constant 80 : i32
    %barrier3A_11 = arith.constant 0 : index
    tpu.barrier barrier_id(%barrier3A_11)
    %mul3A_12 = arith.constant 640 : i32
    %mul3A_13 = arith.muli %arg1, %mul3A_12 : i32
    %mul3A_14 = arith.constant 10240 : i32
    %mul3A_15 = arith.muli %arg0, %mul3A_14 : i32
    %mul3A_16 = arith.constant 640 : i32
    %mul3A_17 = arith.muli %arg1, %mul3A_16 : i32
    %add3A_18 = arith.addi %mul3A_15, %mul3A_17 : i32
    "tpu.region"() ({
      %run_scoped3A = tpu.sem_alloc : memref<!tpu.dma_semaphore, #tpu.memory_space<semaphore_mem>>
      %dma_start3A = arith.constant 0 : i32
      %dma_start3A_19 = tpu.memref_slice %arg5[%add3A_18, %dma_start3A] : memref<20480x128xf32, #tpu.memory_space<hbm>> -> memref<640x128xf32, #tpu.memory_space<hbm>>
      %dma_start3A_20 = arith.constant 0 : i32
      %dma_start3A_21 = tpu.memref_slice %arg8[%mul3A_13, %dma_start3A_20] : memref<10240x128xf32, #tpu.memory_space<vmem_shared>> -> memref<640x128xf32, #tpu.memory_space<vmem_shared>>
      tpu.enqueue_dma source(%dma_start3A_21 : memref<640x128xf32, #tpu.memory_space<vmem_shared>>) target(%dma_start3A_19 : memref<640x128xf32, #tpu.memory_space<hbm>>) target_semaphore(%run_scoped3A : memref<!tpu.dma_semaphore, #tpu.memory_space<semaphore_mem>>)
      %dma_wait3A = arith.constant 0 : i32
      %dma_wait3A_22 = tpu.memref_slice %arg5[%add3A_18, %dma_wait3A] : memref<20480x128xf32, #tpu.memory_space<hbm>> -> memref<640x128xf32, #tpu.memory_space<hbm>>
      %dma_wait3A_23 = arith.constant 0 : i32
      %dma_wait3A_24 = tpu.memref_slice %arg8[%mul3A_13, %dma_wait3A_23] : memref<10240x128xf32, #tpu.memory_space<vmem_shared>> -> memref<640x128xf32, #tpu.memory_space<vmem_shared>>
      tpu.wait_dma2 semaphore(%run_scoped3A : memref<!tpu.dma_semaphore, #tpu.memory_space<semaphore_mem>>) src(%dma_wait3A_24 : memref<640x128xf32, #tpu.memory_space<vmem_shared>>) dst(%dma_wait3A_22 : memref<640x128xf32, #tpu.memory_space<hbm>>)
      tpu.yield
    }) : () -> ()
    return
  }
}

#map = affine_map<(d0, d1) -> (0, 0)>
module attributes {stable_mosaic.version = 14 : i64} {
  func.func @_agg_kernel(%arg0: i32, %arg1: i32, %arg2: memref<2560x128xi32, #tpu.memory_space<hbm>>, %arg3: memref<2560x128xi32, #tpu.memory_space<hbm>>, %arg4: memref<10240x128xf32, #tpu.memory_space<hbm>>, %arg5: memref<10240x128xf32, #tpu.memory_space<hbm>>, %arg6: memref<20480x128xf32, #tpu.memory_space<hbm>>, %arg7: memref<32x128xi32, #tpu.memory_space<vmem>>, %arg8: memref<32x128xi32, #tpu.memory_space<vmem>>, %arg9: memref<2x128x128xf32, #tpu.memory_space<vmem>>, %arg10: memref<10240x128xf32, #tpu.memory_space<vmem_shared>>, %arg11: memref<!tpu.dma_semaphore, #tpu.memory_space<semaphore_mem>>, %arg12: memref<!tpu.dma_semaphore, #tpu.memory_space<semaphore_mem>>, %arg13: memref<!tpu.dma_semaphore, #tpu.memory_space<semaphore_mem>>, %arg14: memref<!tpu.dma_semaphore, #tpu.memory_space<semaphore_mem>>) attributes {dimension_semantics = [#tpu.dimension_semantics<core_parallel>, #tpu.dimension_semantics<subcore_parallel>], iteration_bounds = array<i64: 2, 16>, scalar_prefetch = 0 : i64, scratch_operands = 8 : i64, tpu.core_type = #tpu.core_type<sc_vector_subcore>, window_params = [{transform_indices = #map}, {transform_indices = #map}, {transform_indices = #map}, {transform_indices = #map}, {transform_indices = #map}]} {
    %eq3A = arith.constant 0 : i32
    %eq3A_0 = arith.cmpi eq, %arg0, %eq3A : i32
    %jit3A = arith.constant 128 : i32
    %jit3A_1 = arith.constant 32 : i32
    %select_n3A = arith.select %eq3A_0, %jit3A, %jit3A_1 : i32
    %eq3A_2 = arith.constant 0 : i32
    %eq3A_3 = arith.cmpi eq, %arg0, %eq3A_2 : i32
    %mul3A = arith.constant 128 : i32
    %mul3A_4 = arith.muli %arg1, %mul3A : i32
    %mul3A_5 = arith.constant 32 : i32
    %mul3A_6 = arith.muli %arg1, %mul3A_5 : i32
    %add3A = arith.constant 2048 : i32
    %add3A_7 = arith.addi %add3A, %mul3A_6 : i32
    %select_n3A_8 = arith.select %eq3A_3, %mul3A_4, %add3A_7 : i32
    %mul3A_9 = arith.constant 640 : i32
    %mul3A_10 = arith.muli %arg1, %mul3A_9 : i32
    %mul3A_11 = arith.constant 640 : i32
    %mul3A_12 = arith.muli %arg1, %mul3A_11 : i32
    "tpu.region"() ({
      %run_scoped3A = tpu.sem_alloc : memref<!tpu.dma_semaphore, #tpu.memory_space<semaphore_mem>>
      %dma_start3A = arith.constant 0 : i32
      %dma_start3A_57 = tpu.memref_slice %arg10[%mul3A_12, %dma_start3A] : memref<10240x128xf32, #tpu.memory_space<vmem_shared>> -> memref<640x128xf32, #tpu.memory_space<vmem_shared>>
      %dma_start3A_58 = arith.constant 0 : i32
      %dma_start3A_59 = tpu.memref_slice %arg5[%mul3A_10, %dma_start3A_58] : memref<10240x128xf32, #tpu.memory_space<hbm>> -> memref<640x128xf32, #tpu.memory_space<hbm>>
      tpu.enqueue_dma source(%dma_start3A_59 : memref<640x128xf32, #tpu.memory_space<hbm>>) target(%dma_start3A_57 : memref<640x128xf32, #tpu.memory_space<vmem_shared>>) target_semaphore(%run_scoped3A : memref<!tpu.dma_semaphore, #tpu.memory_space<semaphore_mem>>)
      %dma_wait3A = arith.constant 0 : i32
      %dma_wait3A_60 = tpu.memref_slice %arg10[%mul3A_12, %dma_wait3A] : memref<10240x128xf32, #tpu.memory_space<vmem_shared>> -> memref<640x128xf32, #tpu.memory_space<vmem_shared>>
      %dma_wait3A_61 = arith.constant 0 : i32
      %dma_wait3A_62 = tpu.memref_slice %arg5[%mul3A_10, %dma_wait3A_61] : memref<10240x128xf32, #tpu.memory_space<hbm>> -> memref<640x128xf32, #tpu.memory_space<hbm>>
      tpu.wait_dma2 semaphore(%run_scoped3A : memref<!tpu.dma_semaphore, #tpu.memory_space<semaphore_mem>>) src(%dma_wait3A_62 : memref<640x128xf32, #tpu.memory_space<hbm>>) dst(%dma_wait3A_60 : memref<640x128xf32, #tpu.memory_space<vmem_shared>>)
      tpu.yield
    }) : () -> ()
    %barrier3A = arith.constant 0 : index
    tpu.barrier barrier_id(%barrier3A)
    %jit3A_13 = arith.constant 32 : i32
    %div3A = arith.divsi %select_n3A, %jit3A_13 : i32
    %sign3A = arith.constant 0 : i32
    %sign3A_14 = arith.cmpi sgt, %select_n3A, %sign3A : i32
    %sign3A_15 = arith.extui %sign3A_14 : i1 to i32
    %sign3A_16 = arith.constant 0 : i32
    %sign3A_17 = arith.cmpi slt, %select_n3A, %sign3A_16 : i32
    %sign3A_18 = arith.extui %sign3A_17 : i1 to i32
    %sign3A_19 = arith.subi %sign3A_15, %sign3A_18 : i32
    %sign3A_20 = arith.constant 0 : i32
    %sign3A_21 = arith.cmpi sgt, %jit3A_13, %sign3A_20 : i32
    %sign3A_22 = arith.extui %sign3A_21 : i1 to i32
    %sign3A_23 = arith.constant 0 : i32
    %sign3A_24 = arith.cmpi slt, %jit3A_13, %sign3A_23 : i32
    %sign3A_25 = arith.extui %sign3A_24 : i1 to i32
    %sign3A_26 = arith.subi %sign3A_22, %sign3A_25 : i32
    %ne3A = arith.cmpi ne, %sign3A_19, %sign3A_26 : i32
    %rem3A = arith.remsi %select_n3A, %jit3A_13 : i32
    %ne3A_27 = arith.constant 0 : i32
    %ne3A_28 = arith.cmpi ne, %rem3A, %ne3A_27 : i32
    %and3A = arith.andi %ne3A, %ne3A_28 : i1
    %sub3A = arith.constant 1 : i32
    %sub3A_29 = arith.subi %div3A, %sub3A : i32
    %select_n3A_30 = arith.select %and3A, %sub3A_29, %div3A : i32
    %sub3A_31 = arith.constant 0 : i32
    %sub3A_32 = arith.subi %select_n3A_30, %sub3A_31 : i32
    %sub3A_33 = arith.constant 1 : i32
    %sub3A_34 = arith.constant 1 : i32
    %sub3A_35 = arith.subi %sub3A_33, %sub3A_34 : i32
    %add3A_36 = arith.addi %sub3A_32, %sub3A_35 : i32
    %div3A_37 = arith.constant 1 : i32
    %div3A_38 = arith.divsi %add3A_36, %div3A_37 : i32
    %while3A = arith.constant 1 : i32
    %while3A_39 = arith.constant 0 : i32
    %while3A_40 = arith.constant 0 : i32
    %while3A_41 = arith.subi %div3A_38, %while3A_40 : i32
    %while3A_42 = arith.addi %while3A_40, %while3A_41 : i32
    %while3A_43 = arith.constant 1 : i32
    %while3A_44 = arith.divsi %while3A_41, %while3A_43 : i32
    %while3A_45 = arith.muli %while3A_44, %while3A_43 : i32
    %while3A_46 = arith.addi %while3A_40, %while3A_45 : i32
    %while3A_47 = arith.constant 1 : i32
    scf.for %while3A_57 = %while3A_40 to %while3A_46 step %while3A_47  : i32 {
      %mul3A_58 = arith.muli %while3A_57, %while3A : i32
      %add3A_59 = arith.addi %while3A_39, %mul3A_58 : i32
      %mul3A_60 = arith.constant 32 : i32
      %mul3A_61 = arith.muli %add3A_59, %mul3A_60 : i32
      %add3A_62 = arith.addi %select_n3A_8, %mul3A_61 : i32
      "tpu.region"() ({
        %run_scoped3A = tpu.sem_alloc : memref<!tpu.dma_semaphore, #tpu.memory_space<semaphore_mem>>
        %dma_start3A_101 = arith.constant 0 : i32
        %dma_start3A_102 = tpu.memref_slice %arg2[%add3A_62, %dma_start3A_101] : memref<2560x128xi32, #tpu.memory_space<hbm>> -> memref<32x128xi32, #tpu.memory_space<hbm>>
        %dma_start3A_103 = arith.constant 0 : i32
        %dma_start3A_104 = tpu.memref_slice %arg2[%add3A_62, %dma_start3A_103] : memref<2560x128xi32, #tpu.memory_space<hbm>> -> memref<32x128xi32, #tpu.memory_space<hbm>>
        tpu.enqueue_dma source(%dma_start3A_104 : memref<32x128xi32, #tpu.memory_space<hbm>>) target(%arg7 : memref<32x128xi32, #tpu.memory_space<vmem>>) target_semaphore(%run_scoped3A : memref<!tpu.dma_semaphore, #tpu.memory_space<semaphore_mem>>)
        %dma_wait3A_105 = arith.constant 0 : i32
        %dma_wait3A_106 = tpu.memref_slice %arg2[%add3A_62, %dma_wait3A_105] : memref<2560x128xi32, #tpu.memory_space<hbm>> -> memref<32x128xi32, #tpu.memory_space<hbm>>
        %dma_wait3A_107 = arith.constant 0 : i32
        %dma_wait3A_108 = tpu.memref_slice %arg2[%add3A_62, %dma_wait3A_107] : memref<2560x128xi32, #tpu.memory_space<hbm>> -> memref<32x128xi32, #tpu.memory_space<hbm>>
        tpu.wait_dma2 semaphore(%run_scoped3A : memref<!tpu.dma_semaphore, #tpu.memory_space<semaphore_mem>>) src(%dma_wait3A_108 : memref<32x128xi32, #tpu.memory_space<hbm>>) dst(%arg7 : memref<32x128xi32, #tpu.memory_space<vmem>>)
        tpu.yield
      }) : () -> ()
      "tpu.region"() ({
        %run_scoped3A = tpu.sem_alloc : memref<!tpu.dma_semaphore, #tpu.memory_space<semaphore_mem>>
        %dma_start3A_101 = arith.constant 0 : i32
        %dma_start3A_102 = tpu.memref_slice %arg3[%add3A_62, %dma_start3A_101] : memref<2560x128xi32, #tpu.memory_space<hbm>> -> memref<32x128xi32, #tpu.memory_space<hbm>>
        %dma_start3A_103 = arith.constant 0 : i32
        %dma_start3A_104 = tpu.memref_slice %arg3[%add3A_62, %dma_start3A_103] : memref<2560x128xi32, #tpu.memory_space<hbm>> -> memref<32x128xi32, #tpu.memory_space<hbm>>
        tpu.enqueue_dma source(%dma_start3A_104 : memref<32x128xi32, #tpu.memory_space<hbm>>) target(%arg8 : memref<32x128xi32, #tpu.memory_space<vmem>>) target_semaphore(%run_scoped3A : memref<!tpu.dma_semaphore, #tpu.memory_space<semaphore_mem>>)
        %dma_wait3A_105 = arith.constant 0 : i32
        %dma_wait3A_106 = tpu.memref_slice %arg3[%add3A_62, %dma_wait3A_105] : memref<2560x128xi32, #tpu.memory_space<hbm>> -> memref<32x128xi32, #tpu.memory_space<hbm>>
        %dma_wait3A_107 = arith.constant 0 : i32
        %dma_wait3A_108 = tpu.memref_slice %arg3[%add3A_62, %dma_wait3A_107] : memref<2560x128xi32, #tpu.memory_space<hbm>> -> memref<32x128xi32, #tpu.memory_space<hbm>>
        tpu.wait_dma2 semaphore(%run_scoped3A : memref<!tpu.dma_semaphore, #tpu.memory_space<semaphore_mem>>) src(%dma_wait3A_108 : memref<32x128xi32, #tpu.memory_space<hbm>>) dst(%arg8 : memref<32x128xi32, #tpu.memory_space<vmem>>)
        tpu.yield
      }) : () -> ()
      %dma_start3A = arith.constant 0 : i32
      %dma_start3A_63 = arith.constant 0 : i32
      %dma_start3A_64 = arith.constant 0 : i32
      %dma_start3A_65 = arith.constant 0 : i32
      %dma_start3A_66 = tpu.memref_slice %arg9[%dma_start3A_63, %dma_start3A_64, %dma_start3A_65] : memref<2x128x128xf32, #tpu.memory_space<vmem>> -> memref<1x128x128xf32, #tpu.memory_space<vmem>>
      %dma_start3A_67 = tpu.memref_squeeze %dma_start3A_66 : memref<1x128x128xf32, #tpu.memory_space<vmem>> -> memref<128x128xf32, #tpu.memory_space<vmem>>
      %dma_start3A_68 = arith.constant 0 : i32
      %dma_start3A_69 = tpu.memref_slice %arg7[%dma_start3A, %dma_start3A_68] : memref<32x128xi32, #tpu.memory_space<vmem>> -> memref<1x128xi32, #tpu.memory_space<vmem>>
      %dma_start3A_70 = tpu.memref_squeeze %dma_start3A_69 : memref<1x128xi32, #tpu.memory_space<vmem>> -> memref<128xi32, #tpu.memory_space<vmem>>
      %dma_start3A_71 = arith.constant 0 : i32
      %dma_start3A_72 = arith.constant 0 : i32
      %dma_start3A_73 = tpu.memref_slice %arg4[%dma_start3A_71, %dma_start3A_72] : memref<10240x128xf32, #tpu.memory_space<hbm>> -> memref<10240x128xf32, #tpu.memory_space<hbm>>
      tpu.enqueue_indirect_dma source(%dma_start3A_73 : memref<10240x128xf32, #tpu.memory_space<hbm>>) target(%dma_start3A_67 : memref<128x128xf32, #tpu.memory_space<vmem>>) offsets(%dma_start3A_70 : memref<128xi32, #tpu.memory_space<vmem>>) semaphore(%arg11 : memref<!tpu.dma_semaphore, #tpu.memory_space<semaphore_mem>>)
      %scan3A = arith.constant 0 : i32
      %scan3A_74 = arith.constant 16 : i32
      %scan3A_75 = arith.addi %scan3A, %scan3A_74 : i32
      %scan3A_76 = arith.constant 1 : i32
      scf.for %scan3A_101 = %scan3A to %scan3A_75 step %scan3A_76  : i32 {
        %mul3A_102 = arith.constant 2 : i32
        %mul3A_103 = arith.muli %scan3A_101, %mul3A_102 : i32
        %add3A_104 = arith.constant 0 : i32
        %add3A_105 = arith.addi %add3A_104, %mul3A_103 : i32
        %add3A_106 = arith.constant 0 : i32
        %add3A_107 = arith.addi %add3A_105, %add3A_106 : i32
        %add3A_108 = arith.constant 1 : i32
        %add3A_109 = arith.addi %add3A_107, %add3A_108 : i32
        %ge3A = arith.constant 2 : i32
        %ge3A_110 = arith.cmpi sge, %add3A_109, %ge3A : i32
        %lt3A = arith.constant 32 : i32
        %lt3A_111 = arith.cmpi slt, %add3A_109, %lt3A : i32
        %and3A_112 = arith.andi %ge3A_110, %lt3A_111 : i1
        %convert_element_type3A = arith.extui %and3A_112 : i1 to i32
        %cond3A = arith.constant 0 : i32
        %cond3A_113 = arith.cmpi ne, %convert_element_type3A, %cond3A : i32
        scf.if %cond3A_113 {
          %sub3A_180 = arith.constant 2 : i32
          %sub3A_181 = arith.subi %add3A_109, %sub3A_180 : i32
          %dma_wait3A_182 = arith.constant 1 : i32
          %dma_wait3A_183 = arith.constant 0 : i32
          %dma_wait3A_184 = arith.constant 0 : i32
          %dma_wait3A_185 = tpu.memref_slice %arg9[%dma_wait3A_182, %dma_wait3A_183, %dma_wait3A_184] : memref<2x128x128xf32, #tpu.memory_space<vmem>> -> memref<1x128x128xf32, #tpu.memory_space<vmem>>
          %dma_wait3A_186 = tpu.memref_squeeze %dma_wait3A_185 : memref<1x128x128xf32, #tpu.memory_space<vmem>> -> memref<128x128xf32, #tpu.memory_space<vmem>>
          %dma_wait3A_187 = arith.constant 0 : i32
          %dma_wait3A_188 = tpu.memref_slice %arg8[%sub3A_181, %dma_wait3A_187] : memref<32x128xi32, #tpu.memory_space<vmem>> -> memref<1x128xi32, #tpu.memory_space<vmem>>
          %dma_wait3A_189 = tpu.memref_squeeze %dma_wait3A_188 : memref<1x128xi32, #tpu.memory_space<vmem>> -> memref<128xi32, #tpu.memory_space<vmem>>
          %dma_wait3A_190 = arith.constant 0 : i32
          %dma_wait3A_191 = arith.constant 0 : i32
          %dma_wait3A_192 = tpu.memref_slice %arg10[%dma_wait3A_190, %dma_wait3A_191] : memref<10240x128xf32, #tpu.memory_space<vmem_shared>> -> memref<10240x128xf32, #tpu.memory_space<vmem_shared>>
          tpu.wait_indirect_dma semaphore(%arg14 : memref<!tpu.dma_semaphore, #tpu.memory_space<semaphore_mem>>) src(%dma_wait3A_186 : memref<128x128xf32, #tpu.memory_space<vmem>>) dst(%dma_wait3A_192 : memref<10240x128xf32, #tpu.memory_space<vmem_shared>>)
          %dma_start3A_193 = arith.constant 1 : i32
          %dma_start3A_194 = arith.constant 0 : i32
          %dma_start3A_195 = arith.constant 0 : i32
          %dma_start3A_196 = tpu.memref_slice %arg9[%dma_start3A_193, %dma_start3A_194, %dma_start3A_195] : memref<2x128x128xf32, #tpu.memory_space<vmem>> -> memref<1x128x128xf32, #tpu.memory_space<vmem>>
          %dma_start3A_197 = tpu.memref_squeeze %dma_start3A_196 : memref<1x128x128xf32, #tpu.memory_space<vmem>> -> memref<128x128xf32, #tpu.memory_space<vmem>>
          %dma_start3A_198 = arith.constant 0 : i32
          %dma_start3A_199 = tpu.memref_slice %arg7[%add3A_109, %dma_start3A_198] : memref<32x128xi32, #tpu.memory_space<vmem>> -> memref<1x128xi32, #tpu.memory_space<vmem>>
          %dma_start3A_200 = tpu.memref_squeeze %dma_start3A_199 : memref<1x128xi32, #tpu.memory_space<vmem>> -> memref<128xi32, #tpu.memory_space<vmem>>
          %dma_start3A_201 = arith.constant 0 : i32
          %dma_start3A_202 = arith.constant 0 : i32
          %dma_start3A_203 = tpu.memref_slice %arg4[%dma_start3A_201, %dma_start3A_202] : memref<10240x128xf32, #tpu.memory_space<hbm>> -> memref<10240x128xf32, #tpu.memory_space<hbm>>
          tpu.enqueue_indirect_dma source(%dma_start3A_203 : memref<10240x128xf32, #tpu.memory_space<hbm>>) target(%dma_start3A_197 : memref<128x128xf32, #tpu.memory_space<vmem>>) offsets(%dma_start3A_200 : memref<128xi32, #tpu.memory_space<vmem>>) semaphore(%arg12 : memref<!tpu.dma_semaphore, #tpu.memory_space<semaphore_mem>>)
        } else {
        }
        %eq3A_114 = arith.constant 1 : i32
        %eq3A_115 = arith.cmpi eq, %add3A_109, %eq3A_114 : i32
        %convert_element_type3A_116 = arith.extui %eq3A_115 : i1 to i32
        %cond3A_117 = arith.constant 0 : i32
        %cond3A_118 = arith.cmpi ne, %convert_element_type3A_116, %cond3A_117 : i32
        scf.if %cond3A_118 {
          %dma_start3A_180 = arith.constant 1 : i32
          %dma_start3A_181 = arith.constant 0 : i32
          %dma_start3A_182 = arith.constant 0 : i32
          %dma_start3A_183 = tpu.memref_slice %arg9[%dma_start3A_180, %dma_start3A_181, %dma_start3A_182] : memref<2x128x128xf32, #tpu.memory_space<vmem>> -> memref<1x128x128xf32, #tpu.memory_space<vmem>>
          %dma_start3A_184 = tpu.memref_squeeze %dma_start3A_183 : memref<1x128x128xf32, #tpu.memory_space<vmem>> -> memref<128x128xf32, #tpu.memory_space<vmem>>
          %dma_start3A_185 = arith.constant 0 : i32
          %dma_start3A_186 = tpu.memref_slice %arg7[%add3A_109, %dma_start3A_185] : memref<32x128xi32, #tpu.memory_space<vmem>> -> memref<1x128xi32, #tpu.memory_space<vmem>>
          %dma_start3A_187 = tpu.memref_squeeze %dma_start3A_186 : memref<1x128xi32, #tpu.memory_space<vmem>> -> memref<128xi32, #tpu.memory_space<vmem>>
          %dma_start3A_188 = arith.constant 0 : i32
          %dma_start3A_189 = arith.constant 0 : i32
          %dma_start3A_190 = tpu.memref_slice %arg4[%dma_start3A_188, %dma_start3A_189] : memref<10240x128xf32, #tpu.memory_space<hbm>> -> memref<10240x128xf32, #tpu.memory_space<hbm>>
          tpu.enqueue_indirect_dma source(%dma_start3A_190 : memref<10240x128xf32, #tpu.memory_space<hbm>>) target(%dma_start3A_184 : memref<128x128xf32, #tpu.memory_space<vmem>>) offsets(%dma_start3A_187 : memref<128xi32, #tpu.memory_space<vmem>>) semaphore(%arg12 : memref<!tpu.dma_semaphore, #tpu.memory_space<semaphore_mem>>)
        } else {
        }
        %dma_wait3A_119 = arith.constant 0 : i32
        %dma_wait3A_120 = arith.constant 0 : i32
        %dma_wait3A_121 = arith.constant 0 : i32
        %dma_wait3A_122 = tpu.memref_slice %arg9[%dma_wait3A_119, %dma_wait3A_120, %dma_wait3A_121] : memref<2x128x128xf32, #tpu.memory_space<vmem>> -> memref<1x128x128xf32, #tpu.memory_space<vmem>>
        %dma_wait3A_123 = tpu.memref_squeeze %dma_wait3A_122 : memref<1x128x128xf32, #tpu.memory_space<vmem>> -> memref<128x128xf32, #tpu.memory_space<vmem>>
        %dma_wait3A_124 = arith.constant 0 : i32
        %dma_wait3A_125 = tpu.memref_slice %arg7[%add3A_107, %dma_wait3A_124] : memref<32x128xi32, #tpu.memory_space<vmem>> -> memref<1x128xi32, #tpu.memory_space<vmem>>
        %dma_wait3A_126 = tpu.memref_squeeze %dma_wait3A_125 : memref<1x128xi32, #tpu.memory_space<vmem>> -> memref<128xi32, #tpu.memory_space<vmem>>
        %dma_wait3A_127 = arith.constant 0 : i32
        %dma_wait3A_128 = arith.constant 0 : i32
        %dma_wait3A_129 = tpu.memref_slice %arg4[%dma_wait3A_127, %dma_wait3A_128] : memref<10240x128xf32, #tpu.memory_space<hbm>> -> memref<10240x128xf32, #tpu.memory_space<hbm>>
        tpu.wait_indirect_dma semaphore(%arg11 : memref<!tpu.dma_semaphore, #tpu.memory_space<semaphore_mem>>) src(%dma_wait3A_129 : memref<10240x128xf32, #tpu.memory_space<hbm>>) dst(%dma_wait3A_123 : memref<128x128xf32, #tpu.memory_space<vmem>>)
        %dma_start3A_130 = arith.constant 0 : i32
        %dma_start3A_131 = arith.constant 0 : i32
        %dma_start3A_132 = arith.constant 0 : i32
        %dma_start3A_133 = tpu.memref_slice %arg9[%dma_start3A_130, %dma_start3A_131, %dma_start3A_132] : memref<2x128x128xf32, #tpu.memory_space<vmem>> -> memref<1x128x128xf32, #tpu.memory_space<vmem>>
        %dma_start3A_134 = tpu.memref_squeeze %dma_start3A_133 : memref<1x128x128xf32, #tpu.memory_space<vmem>> -> memref<128x128xf32, #tpu.memory_space<vmem>>
        %dma_start3A_135 = arith.constant 0 : i32
        %dma_start3A_136 = tpu.memref_slice %arg8[%add3A_107, %dma_start3A_135] : memref<32x128xi32, #tpu.memory_space<vmem>> -> memref<1x128xi32, #tpu.memory_space<vmem>>
        %dma_start3A_137 = tpu.memref_squeeze %dma_start3A_136 : memref<1x128xi32, #tpu.memory_space<vmem>> -> memref<128xi32, #tpu.memory_space<vmem>>
        %dma_start3A_138 = arith.constant 0 : i32
        %dma_start3A_139 = arith.constant 0 : i32
        %dma_start3A_140 = tpu.memref_slice %arg10[%dma_start3A_138, %dma_start3A_139] : memref<10240x128xf32, #tpu.memory_space<vmem_shared>> -> memref<10240x128xf32, #tpu.memory_space<vmem_shared>>
        tpu.enqueue_indirect_dma source(%dma_start3A_134 : memref<128x128xf32, #tpu.memory_space<vmem>>) target(%dma_start3A_140 : memref<10240x128xf32, #tpu.memory_space<vmem_shared>>) offsets(%dma_start3A_137 : memref<128xi32, #tpu.memory_space<vmem>>) semaphore(%arg13 : memref<!tpu.dma_semaphore, #tpu.memory_space<semaphore_mem>>) {add = true}
        %add3A_141 = arith.constant 1 : i32
        %add3A_142 = arith.addi %add3A_105, %add3A_141 : i32
        %add3A_143 = arith.constant 1 : i32
        %add3A_144 = arith.addi %add3A_142, %add3A_143 : i32
        %ge3A_145 = arith.constant 2 : i32
        %ge3A_146 = arith.cmpi sge, %add3A_144, %ge3A_145 : i32
        %lt3A_147 = arith.constant 32 : i32
        %lt3A_148 = arith.cmpi slt, %add3A_144, %lt3A_147 : i32
        %and3A_149 = arith.andi %ge3A_146, %lt3A_148 : i1
        %convert_element_type3A_150 = arith.extui %and3A_149 : i1 to i32
        %cond3A_151 = arith.constant 0 : i32
        %cond3A_152 = arith.cmpi ne, %convert_element_type3A_150, %cond3A_151 : i32
        scf.if %cond3A_152 {
          %sub3A_180 = arith.constant 2 : i32
          %sub3A_181 = arith.subi %add3A_144, %sub3A_180 : i32
          %dma_wait3A_182 = arith.constant 0 : i32
          %dma_wait3A_183 = arith.constant 0 : i32
          %dma_wait3A_184 = arith.constant 0 : i32
          %dma_wait3A_185 = tpu.memref_slice %arg9[%dma_wait3A_182, %dma_wait3A_183, %dma_wait3A_184] : memref<2x128x128xf32, #tpu.memory_space<vmem>> -> memref<1x128x128xf32, #tpu.memory_space<vmem>>
          %dma_wait3A_186 = tpu.memref_squeeze %dma_wait3A_185 : memref<1x128x128xf32, #tpu.memory_space<vmem>> -> memref<128x128xf32, #tpu.memory_space<vmem>>
          %dma_wait3A_187 = arith.constant 0 : i32
          %dma_wait3A_188 = tpu.memref_slice %arg8[%sub3A_181, %dma_wait3A_187] : memref<32x128xi32, #tpu.memory_space<vmem>> -> memref<1x128xi32, #tpu.memory_space<vmem>>
          %dma_wait3A_189 = tpu.memref_squeeze %dma_wait3A_188 : memref<1x128xi32, #tpu.memory_space<vmem>> -> memref<128xi32, #tpu.memory_space<vmem>>
          %dma_wait3A_190 = arith.constant 0 : i32
          %dma_wait3A_191 = arith.constant 0 : i32
          %dma_wait3A_192 = tpu.memref_slice %arg10[%dma_wait3A_190, %dma_wait3A_191] : memref<10240x128xf32, #tpu.memory_space<vmem_shared>> -> memref<10240x128xf32, #tpu.memory_space<vmem_shared>>
          tpu.wait_indirect_dma semaphore(%arg13 : memref<!tpu.dma_semaphore, #tpu.memory_space<semaphore_mem>>) src(%dma_wait3A_186 : memref<128x128xf32, #tpu.memory_space<vmem>>) dst(%dma_wait3A_192 : memref<10240x128xf32, #tpu.memory_space<vmem_shared>>)
          %dma_start3A_193 = arith.constant 0 : i32
          %dma_start3A_194 = arith.constant 0 : i32
          %dma_start3A_195 = arith.constant 0 : i32
          %dma_start3A_196 = tpu.memref_slice %arg9[%dma_start3A_193, %dma_start3A_194, %dma_start3A_195] : memref<2x128x128xf32, #tpu.memory_space<vmem>> -> memref<1x128x128xf32, #tpu.memory_space<vmem>>
          %dma_start3A_197 = tpu.memref_squeeze %dma_start3A_196 : memref<1x128x128xf32, #tpu.memory_space<vmem>> -> memref<128x128xf32, #tpu.memory_space<vmem>>
          %dma_start3A_198 = arith.constant 0 : i32
          %dma_start3A_199 = tpu.memref_slice %arg7[%add3A_144, %dma_start3A_198] : memref<32x128xi32, #tpu.memory_space<vmem>> -> memref<1x128xi32, #tpu.memory_space<vmem>>
          %dma_start3A_200 = tpu.memref_squeeze %dma_start3A_199 : memref<1x128xi32, #tpu.memory_space<vmem>> -> memref<128xi32, #tpu.memory_space<vmem>>
          %dma_start3A_201 = arith.constant 0 : i32
          %dma_start3A_202 = arith.constant 0 : i32
          %dma_start3A_203 = tpu.memref_slice %arg4[%dma_start3A_201, %dma_start3A_202] : memref<10240x128xf32, #tpu.memory_space<hbm>> -> memref<10240x128xf32, #tpu.memory_space<hbm>>
          tpu.enqueue_indirect_dma source(%dma_start3A_203 : memref<10240x128xf32, #tpu.memory_space<hbm>>) target(%dma_start3A_197 : memref<128x128xf32, #tpu.memory_space<vmem>>) offsets(%dma_start3A_200 : memref<128xi32, #tpu.memory_space<vmem>>) semaphore(%arg11 : memref<!tpu.dma_semaphore, #tpu.memory_space<semaphore_mem>>)
        } else {
        }
        %eq3A_153 = arith.constant 1 : i32
        %eq3A_154 = arith.cmpi eq, %add3A_144, %eq3A_153 : i32
        %convert_element_type3A_155 = arith.extui %eq3A_154 : i1 to i32
        %cond3A_156 = arith.constant 0 : i32
        %cond3A_157 = arith.cmpi ne, %convert_element_type3A_155, %cond3A_156 : i32
        scf.if %cond3A_157 {
          %dma_start3A_180 = arith.constant 0 : i32
          %dma_start3A_181 = arith.constant 0 : i32
          %dma_start3A_182 = arith.constant 0 : i32
          %dma_start3A_183 = tpu.memref_slice %arg9[%dma_start3A_180, %dma_start3A_181, %dma_start3A_182] : memref<2x128x128xf32, #tpu.memory_space<vmem>> -> memref<1x128x128xf32, #tpu.memory_space<vmem>>
          %dma_start3A_184 = tpu.memref_squeeze %dma_start3A_183 : memref<1x128x128xf32, #tpu.memory_space<vmem>> -> memref<128x128xf32, #tpu.memory_space<vmem>>
          %dma_start3A_185 = arith.constant 0 : i32
          %dma_start3A_186 = tpu.memref_slice %arg7[%add3A_144, %dma_start3A_185] : memref<32x128xi32, #tpu.memory_space<vmem>> -> memref<1x128xi32, #tpu.memory_space<vmem>>
          %dma_start3A_187 = tpu.memref_squeeze %dma_start3A_186 : memref<1x128xi32, #tpu.memory_space<vmem>> -> memref<128xi32, #tpu.memory_space<vmem>>
          %dma_start3A_188 = arith.constant 0 : i32
          %dma_start3A_189 = arith.constant 0 : i32
          %dma_start3A_190 = tpu.memref_slice %arg4[%dma_start3A_188, %dma_start3A_189] : memref<10240x128xf32, #tpu.memory_space<hbm>> -> memref<10240x128xf32, #tpu.memory_space<hbm>>
          tpu.enqueue_indirect_dma source(%dma_start3A_190 : memref<10240x128xf32, #tpu.memory_space<hbm>>) target(%dma_start3A_184 : memref<128x128xf32, #tpu.memory_space<vmem>>) offsets(%dma_start3A_187 : memref<128xi32, #tpu.memory_space<vmem>>) semaphore(%arg11 : memref<!tpu.dma_semaphore, #tpu.memory_space<semaphore_mem>>)
        } else {
        }
        %dma_wait3A_158 = arith.constant 1 : i32
        %dma_wait3A_159 = arith.constant 0 : i32
        %dma_wait3A_160 = arith.constant 0 : i32
        %dma_wait3A_161 = tpu.memref_slice %arg9[%dma_wait3A_158, %dma_wait3A_159, %dma_wait3A_160] : memref<2x128x128xf32, #tpu.memory_space<vmem>> -> memref<1x128x128xf32, #tpu.memory_space<vmem>>
        %dma_wait3A_162 = tpu.memref_squeeze %dma_wait3A_161 : memref<1x128x128xf32, #tpu.memory_space<vmem>> -> memref<128x128xf32, #tpu.memory_space<vmem>>
        %dma_wait3A_163 = arith.constant 0 : i32
        %dma_wait3A_164 = tpu.memref_slice %arg7[%add3A_142, %dma_wait3A_163] : memref<32x128xi32, #tpu.memory_space<vmem>> -> memref<1x128xi32, #tpu.memory_space<vmem>>
        %dma_wait3A_165 = tpu.memref_squeeze %dma_wait3A_164 : memref<1x128xi32, #tpu.memory_space<vmem>> -> memref<128xi32, #tpu.memory_space<vmem>>
        %dma_wait3A_166 = arith.constant 0 : i32
        %dma_wait3A_167 = arith.constant 0 : i32
        %dma_wait3A_168 = tpu.memref_slice %arg4[%dma_wait3A_166, %dma_wait3A_167] : memref<10240x128xf32, #tpu.memory_space<hbm>> -> memref<10240x128xf32, #tpu.memory_space<hbm>>
        tpu.wait_indirect_dma semaphore(%arg12 : memref<!tpu.dma_semaphore, #tpu.memory_space<semaphore_mem>>) src(%dma_wait3A_168 : memref<10240x128xf32, #tpu.memory_space<hbm>>) dst(%dma_wait3A_162 : memref<128x128xf32, #tpu.memory_space<vmem>>)
        %dma_start3A_169 = arith.constant 1 : i32
        %dma_start3A_170 = arith.constant 0 : i32
        %dma_start3A_171 = arith.constant 0 : i32
        %dma_start3A_172 = tpu.memref_slice %arg9[%dma_start3A_169, %dma_start3A_170, %dma_start3A_171] : memref<2x128x128xf32, #tpu.memory_space<vmem>> -> memref<1x128x128xf32, #tpu.memory_space<vmem>>
        %dma_start3A_173 = tpu.memref_squeeze %dma_start3A_172 : memref<1x128x128xf32, #tpu.memory_space<vmem>> -> memref<128x128xf32, #tpu.memory_space<vmem>>
        %dma_start3A_174 = arith.constant 0 : i32
        %dma_start3A_175 = tpu.memref_slice %arg8[%add3A_142, %dma_start3A_174] : memref<32x128xi32, #tpu.memory_space<vmem>> -> memref<1x128xi32, #tpu.memory_space<vmem>>
        %dma_start3A_176 = tpu.memref_squeeze %dma_start3A_175 : memref<1x128xi32, #tpu.memory_space<vmem>> -> memref<128xi32, #tpu.memory_space<vmem>>
        %dma_start3A_177 = arith.constant 0 : i32
        %dma_start3A_178 = arith.constant 0 : i32
        %dma_start3A_179 = tpu.memref_slice %arg10[%dma_start3A_177, %dma_start3A_178] : memref<10240x128xf32, #tpu.memory_space<vmem_shared>> -> memref<10240x128xf32, #tpu.memory_space<vmem_shared>>
        tpu.enqueue_indirect_dma source(%dma_start3A_173 : memref<128x128xf32, #tpu.memory_space<vmem>>) target(%dma_start3A_179 : memref<10240x128xf32, #tpu.memory_space<vmem_shared>>) offsets(%dma_start3A_176 : memref<128xi32, #tpu.memory_space<vmem>>) semaphore(%arg14 : memref<!tpu.dma_semaphore, #tpu.memory_space<semaphore_mem>>) {add = true}
      }
      %scan3A_77 = arith.constant 16 : i32
      %dma_wait3A = arith.constant 0 : i32
      %dma_wait3A_78 = arith.constant 30 : i32
      %dma_wait3A_79 = arith.constant 0 : i32
      %dma_wait3A_80 = arith.constant 0 : i32
      %dma_wait3A_81 = tpu.memref_slice %arg9[%dma_wait3A, %dma_wait3A_79, %dma_wait3A_80] : memref<2x128x128xf32, #tpu.memory_space<vmem>> -> memref<1x128x128xf32, #tpu.memory_space<vmem>>
      %dma_wait3A_82 = tpu.memref_squeeze %dma_wait3A_81 : memref<1x128x128xf32, #tpu.memory_space<vmem>> -> memref<128x128xf32, #tpu.memory_space<vmem>>
      %dma_wait3A_83 = arith.constant 0 : i32
      %dma_wait3A_84 = tpu.memref_slice %arg8[%dma_wait3A_78, %dma_wait3A_83] : memref<32x128xi32, #tpu.memory_space<vmem>> -> memref<1x128xi32, #tpu.memory_space<vmem>>
      %dma_wait3A_85 = tpu.memref_squeeze %dma_wait3A_84 : memref<1x128xi32, #tpu.memory_space<vmem>> -> memref<128xi32, #tpu.memory_space<vmem>>
      %dma_wait3A_86 = arith.constant 0 : i32
      %dma_wait3A_87 = arith.constant 0 : i32
      %dma_wait3A_88 = tpu.memref_slice %arg10[%dma_wait3A_86, %dma_wait3A_87] : memref<10240x128xf32, #tpu.memory_space<vmem_shared>> -> memref<10240x128xf32, #tpu.memory_space<vmem_shared>>
      tpu.wait_indirect_dma semaphore(%arg13 : memref<!tpu.dma_semaphore, #tpu.memory_space<semaphore_mem>>) src(%dma_wait3A_82 : memref<128x128xf32, #tpu.memory_space<vmem>>) dst(%dma_wait3A_88 : memref<10240x128xf32, #tpu.memory_space<vmem_shared>>)
      %dma_wait3A_89 = arith.constant 1 : i32
      %dma_wait3A_90 = arith.constant 31 : i32
      %dma_wait3A_91 = arith.constant 0 : i32
      %dma_wait3A_92 = arith.constant 0 : i32
      %dma_wait3A_93 = tpu.memref_slice %arg9[%dma_wait3A_89, %dma_wait3A_91, %dma_wait3A_92] : memref<2x128x128xf32, #tpu.memory_space<vmem>> -> memref<1x128x128xf32, #tpu.memory_space<vmem>>
      %dma_wait3A_94 = tpu.memref_squeeze %dma_wait3A_93 : memref<1x128x128xf32, #tpu.memory_space<vmem>> -> memref<128x128xf32, #tpu.memory_space<vmem>>
      %dma_wait3A_95 = arith.constant 0 : i32
      %dma_wait3A_96 = tpu.memref_slice %arg8[%dma_wait3A_90, %dma_wait3A_95] : memref<32x128xi32, #tpu.memory_space<vmem>> -> memref<1x128xi32, #tpu.memory_space<vmem>>
      %dma_wait3A_97 = tpu.memref_squeeze %dma_wait3A_96 : memref<1x128xi32, #tpu.memory_space<vmem>> -> memref<128xi32, #tpu.memory_space<vmem>>
      %dma_wait3A_98 = arith.constant 0 : i32
      %dma_wait3A_99 = arith.constant 0 : i32
      %dma_wait3A_100 = tpu.memref_slice %arg10[%dma_wait3A_98, %dma_wait3A_99] : memref<10240x128xf32, #tpu.memory_space<vmem_shared>> -> memref<10240x128xf32, #tpu.memory_space<vmem_shared>>
      tpu.wait_indirect_dma semaphore(%arg14 : memref<!tpu.dma_semaphore, #tpu.memory_space<semaphore_mem>>) src(%dma_wait3A_94 : memref<128x128xf32, #tpu.memory_space<vmem>>) dst(%dma_wait3A_100 : memref<10240x128xf32, #tpu.memory_space<vmem_shared>>)
    }
    %while3A_48 = arith.constant 1 : i32
    scf.for %while3A_57 = %while3A_46 to %while3A_42 step %while3A_48  : i32 {
      %mul3A_58 = arith.muli %while3A_57, %while3A : i32
      %add3A_59 = arith.addi %while3A_39, %mul3A_58 : i32
      %mul3A_60 = arith.constant 32 : i32
      %mul3A_61 = arith.muli %add3A_59, %mul3A_60 : i32
      %add3A_62 = arith.addi %select_n3A_8, %mul3A_61 : i32
      "tpu.region"() ({
        %run_scoped3A = tpu.sem_alloc : memref<!tpu.dma_semaphore, #tpu.memory_space<semaphore_mem>>
        %dma_start3A_101 = arith.constant 0 : i32
        %dma_start3A_102 = tpu.memref_slice %arg2[%add3A_62, %dma_start3A_101] : memref<2560x128xi32, #tpu.memory_space<hbm>> -> memref<32x128xi32, #tpu.memory_space<hbm>>
        %dma_start3A_103 = arith.constant 0 : i32
        %dma_start3A_104 = tpu.memref_slice %arg2[%add3A_62, %dma_start3A_103] : memref<2560x128xi32, #tpu.memory_space<hbm>> -> memref<32x128xi32, #tpu.memory_space<hbm>>
        tpu.enqueue_dma source(%dma_start3A_104 : memref<32x128xi32, #tpu.memory_space<hbm>>) target(%arg7 : memref<32x128xi32, #tpu.memory_space<vmem>>) target_semaphore(%run_scoped3A : memref<!tpu.dma_semaphore, #tpu.memory_space<semaphore_mem>>)
        %dma_wait3A_105 = arith.constant 0 : i32
        %dma_wait3A_106 = tpu.memref_slice %arg2[%add3A_62, %dma_wait3A_105] : memref<2560x128xi32, #tpu.memory_space<hbm>> -> memref<32x128xi32, #tpu.memory_space<hbm>>
        %dma_wait3A_107 = arith.constant 0 : i32
        %dma_wait3A_108 = tpu.memref_slice %arg2[%add3A_62, %dma_wait3A_107] : memref<2560x128xi32, #tpu.memory_space<hbm>> -> memref<32x128xi32, #tpu.memory_space<hbm>>
        tpu.wait_dma2 semaphore(%run_scoped3A : memref<!tpu.dma_semaphore, #tpu.memory_space<semaphore_mem>>) src(%dma_wait3A_108 : memref<32x128xi32, #tpu.memory_space<hbm>>) dst(%arg7 : memref<32x128xi32, #tpu.memory_space<vmem>>)
        tpu.yield
      }) : () -> ()
      "tpu.region"() ({
        %run_scoped3A = tpu.sem_alloc : memref<!tpu.dma_semaphore, #tpu.memory_space<semaphore_mem>>
        %dma_start3A_101 = arith.constant 0 : i32
        %dma_start3A_102 = tpu.memref_slice %arg3[%add3A_62, %dma_start3A_101] : memref<2560x128xi32, #tpu.memory_space<hbm>> -> memref<32x128xi32, #tpu.memory_space<hbm>>
        %dma_start3A_103 = arith.constant 0 : i32
        %dma_start3A_104 = tpu.memref_slice %arg3[%add3A_62, %dma_start3A_103] : memref<2560x128xi32, #tpu.memory_space<hbm>> -> memref<32x128xi32, #tpu.memory_space<hbm>>
        tpu.enqueue_dma source(%dma_start3A_104 : memref<32x128xi32, #tpu.memory_space<hbm>>) target(%arg8 : memref<32x128xi32, #tpu.memory_space<vmem>>) target_semaphore(%run_scoped3A : memref<!tpu.dma_semaphore, #tpu.memory_space<semaphore_mem>>)
        %dma_wait3A_105 = arith.constant 0 : i32
        %dma_wait3A_106 = tpu.memref_slice %arg3[%add3A_62, %dma_wait3A_105] : memref<2560x128xi32, #tpu.memory_space<hbm>> -> memref<32x128xi32, #tpu.memory_space<hbm>>
        %dma_wait3A_107 = arith.constant 0 : i32
        %dma_wait3A_108 = tpu.memref_slice %arg3[%add3A_62, %dma_wait3A_107] : memref<2560x128xi32, #tpu.memory_space<hbm>> -> memref<32x128xi32, #tpu.memory_space<hbm>>
        tpu.wait_dma2 semaphore(%run_scoped3A : memref<!tpu.dma_semaphore, #tpu.memory_space<semaphore_mem>>) src(%dma_wait3A_108 : memref<32x128xi32, #tpu.memory_space<hbm>>) dst(%arg8 : memref<32x128xi32, #tpu.memory_space<vmem>>)
        tpu.yield
      }) : () -> ()
      %dma_start3A = arith.constant 0 : i32
      %dma_start3A_63 = arith.constant 0 : i32
      %dma_start3A_64 = arith.constant 0 : i32
      %dma_start3A_65 = arith.constant 0 : i32
      %dma_start3A_66 = tpu.memref_slice %arg9[%dma_start3A_63, %dma_start3A_64, %dma_start3A_65] : memref<2x128x128xf32, #tpu.memory_space<vmem>> -> memref<1x128x128xf32, #tpu.memory_space<vmem>>
      %dma_start3A_67 = tpu.memref_squeeze %dma_start3A_66 : memref<1x128x128xf32, #tpu.memory_space<vmem>> -> memref<128x128xf32, #tpu.memory_space<vmem>>
      %dma_start3A_68 = arith.constant 0 : i32
      %dma_start3A_69 = tpu.memref_slice %arg7[%dma_start3A, %dma_start3A_68] : memref<32x128xi32, #tpu.memory_space<vmem>> -> memref<1x128xi32, #tpu.memory_space<vmem>>
      %dma_start3A_70 = tpu.memref_squeeze %dma_start3A_69 : memref<1x128xi32, #tpu.memory_space<vmem>> -> memref<128xi32, #tpu.memory_space<vmem>>
      %dma_start3A_71 = arith.constant 0 : i32
      %dma_start3A_72 = arith.constant 0 : i32
      %dma_start3A_73 = tpu.memref_slice %arg4[%dma_start3A_71, %dma_start3A_72] : memref<10240x128xf32, #tpu.memory_space<hbm>> -> memref<10240x128xf32, #tpu.memory_space<hbm>>
      tpu.enqueue_indirect_dma source(%dma_start3A_73 : memref<10240x128xf32, #tpu.memory_space<hbm>>) target(%dma_start3A_67 : memref<128x128xf32, #tpu.memory_space<vmem>>) offsets(%dma_start3A_70 : memref<128xi32, #tpu.memory_space<vmem>>) semaphore(%arg11 : memref<!tpu.dma_semaphore, #tpu.memory_space<semaphore_mem>>)
      %scan3A = arith.constant 0 : i32
      %scan3A_74 = arith.constant 16 : i32
      %scan3A_75 = arith.addi %scan3A, %scan3A_74 : i32
      %scan3A_76 = arith.constant 1 : i32
      scf.for %scan3A_101 = %scan3A to %scan3A_75 step %scan3A_76  : i32 {
        %mul3A_102 = arith.constant 2 : i32
        %mul3A_103 = arith.muli %scan3A_101, %mul3A_102 : i32
        %add3A_104 = arith.constant 0 : i32
        %add3A_105 = arith.addi %add3A_104, %mul3A_103 : i32
        %add3A_106 = arith.constant 0 : i32
        %add3A_107 = arith.addi %add3A_105, %add3A_106 : i32
        %add3A_108 = arith.constant 1 : i32
        %add3A_109 = arith.addi %add3A_107, %add3A_108 : i32
        %ge3A = arith.constant 2 : i32
        %ge3A_110 = arith.cmpi sge, %add3A_109, %ge3A : i32
        %lt3A = arith.constant 32 : i32
        %lt3A_111 = arith.cmpi slt, %add3A_109, %lt3A : i32
        %and3A_112 = arith.andi %ge3A_110, %lt3A_111 : i1
        %convert_element_type3A = arith.extui %and3A_112 : i1 to i32
        %cond3A = arith.constant 0 : i32
        %cond3A_113 = arith.cmpi ne, %convert_element_type3A, %cond3A : i32
        scf.if %cond3A_113 {
          %sub3A_180 = arith.constant 2 : i32
          %sub3A_181 = arith.subi %add3A_109, %sub3A_180 : i32
          %dma_wait3A_182 = arith.constant 1 : i32
          %dma_wait3A_183 = arith.constant 0 : i32
          %dma_wait3A_184 = arith.constant 0 : i32
          %dma_wait3A_185 = tpu.memref_slice %arg9[%dma_wait3A_182, %dma_wait3A_183, %dma_wait3A_184] : memref<2x128x128xf32, #tpu.memory_space<vmem>> -> memref<1x128x128xf32, #tpu.memory_space<vmem>>
          %dma_wait3A_186 = tpu.memref_squeeze %dma_wait3A_185 : memref<1x128x128xf32, #tpu.memory_space<vmem>> -> memref<128x128xf32, #tpu.memory_space<vmem>>
          %dma_wait3A_187 = arith.constant 0 : i32
          %dma_wait3A_188 = tpu.memref_slice %arg8[%sub3A_181, %dma_wait3A_187] : memref<32x128xi32, #tpu.memory_space<vmem>> -> memref<1x128xi32, #tpu.memory_space<vmem>>
          %dma_wait3A_189 = tpu.memref_squeeze %dma_wait3A_188 : memref<1x128xi32, #tpu.memory_space<vmem>> -> memref<128xi32, #tpu.memory_space<vmem>>
          %dma_wait3A_190 = arith.constant 0 : i32
          %dma_wait3A_191 = arith.constant 0 : i32
          %dma_wait3A_192 = tpu.memref_slice %arg10[%dma_wait3A_190, %dma_wait3A_191] : memref<10240x128xf32, #tpu.memory_space<vmem_shared>> -> memref<10240x128xf32, #tpu.memory_space<vmem_shared>>
          tpu.wait_indirect_dma semaphore(%arg14 : memref<!tpu.dma_semaphore, #tpu.memory_space<semaphore_mem>>) src(%dma_wait3A_186 : memref<128x128xf32, #tpu.memory_space<vmem>>) dst(%dma_wait3A_192 : memref<10240x128xf32, #tpu.memory_space<vmem_shared>>)
          %dma_start3A_193 = arith.constant 1 : i32
          %dma_start3A_194 = arith.constant 0 : i32
          %dma_start3A_195 = arith.constant 0 : i32
          %dma_start3A_196 = tpu.memref_slice %arg9[%dma_start3A_193, %dma_start3A_194, %dma_start3A_195] : memref<2x128x128xf32, #tpu.memory_space<vmem>> -> memref<1x128x128xf32, #tpu.memory_space<vmem>>
          %dma_start3A_197 = tpu.memref_squeeze %dma_start3A_196 : memref<1x128x128xf32, #tpu.memory_space<vmem>> -> memref<128x128xf32, #tpu.memory_space<vmem>>
          %dma_start3A_198 = arith.constant 0 : i32
          %dma_start3A_199 = tpu.memref_slice %arg7[%add3A_109, %dma_start3A_198] : memref<32x128xi32, #tpu.memory_space<vmem>> -> memref<1x128xi32, #tpu.memory_space<vmem>>
          %dma_start3A_200 = tpu.memref_squeeze %dma_start3A_199 : memref<1x128xi32, #tpu.memory_space<vmem>> -> memref<128xi32, #tpu.memory_space<vmem>>
          %dma_start3A_201 = arith.constant 0 : i32
          %dma_start3A_202 = arith.constant 0 : i32
          %dma_start3A_203 = tpu.memref_slice %arg4[%dma_start3A_201, %dma_start3A_202] : memref<10240x128xf32, #tpu.memory_space<hbm>> -> memref<10240x128xf32, #tpu.memory_space<hbm>>
          tpu.enqueue_indirect_dma source(%dma_start3A_203 : memref<10240x128xf32, #tpu.memory_space<hbm>>) target(%dma_start3A_197 : memref<128x128xf32, #tpu.memory_space<vmem>>) offsets(%dma_start3A_200 : memref<128xi32, #tpu.memory_space<vmem>>) semaphore(%arg12 : memref<!tpu.dma_semaphore, #tpu.memory_space<semaphore_mem>>)
        } else {
        }
        %eq3A_114 = arith.constant 1 : i32
        %eq3A_115 = arith.cmpi eq, %add3A_109, %eq3A_114 : i32
        %convert_element_type3A_116 = arith.extui %eq3A_115 : i1 to i32
        %cond3A_117 = arith.constant 0 : i32
        %cond3A_118 = arith.cmpi ne, %convert_element_type3A_116, %cond3A_117 : i32
        scf.if %cond3A_118 {
          %dma_start3A_180 = arith.constant 1 : i32
          %dma_start3A_181 = arith.constant 0 : i32
          %dma_start3A_182 = arith.constant 0 : i32
          %dma_start3A_183 = tpu.memref_slice %arg9[%dma_start3A_180, %dma_start3A_181, %dma_start3A_182] : memref<2x128x128xf32, #tpu.memory_space<vmem>> -> memref<1x128x128xf32, #tpu.memory_space<vmem>>
          %dma_start3A_184 = tpu.memref_squeeze %dma_start3A_183 : memref<1x128x128xf32, #tpu.memory_space<vmem>> -> memref<128x128xf32, #tpu.memory_space<vmem>>
          %dma_start3A_185 = arith.constant 0 : i32
          %dma_start3A_186 = tpu.memref_slice %arg7[%add3A_109, %dma_start3A_185] : memref<32x128xi32, #tpu.memory_space<vmem>> -> memref<1x128xi32, #tpu.memory_space<vmem>>
          %dma_start3A_187 = tpu.memref_squeeze %dma_start3A_186 : memref<1x128xi32, #tpu.memory_space<vmem>> -> memref<128xi32, #tpu.memory_space<vmem>>
          %dma_start3A_188 = arith.constant 0 : i32
          %dma_start3A_189 = arith.constant 0 : i32
          %dma_start3A_190 = tpu.memref_slice %arg4[%dma_start3A_188, %dma_start3A_189] : memref<10240x128xf32, #tpu.memory_space<hbm>> -> memref<10240x128xf32, #tpu.memory_space<hbm>>
          tpu.enqueue_indirect_dma source(%dma_start3A_190 : memref<10240x128xf32, #tpu.memory_space<hbm>>) target(%dma_start3A_184 : memref<128x128xf32, #tpu.memory_space<vmem>>) offsets(%dma_start3A_187 : memref<128xi32, #tpu.memory_space<vmem>>) semaphore(%arg12 : memref<!tpu.dma_semaphore, #tpu.memory_space<semaphore_mem>>)
        } else {
        }
        %dma_wait3A_119 = arith.constant 0 : i32
        %dma_wait3A_120 = arith.constant 0 : i32
        %dma_wait3A_121 = arith.constant 0 : i32
        %dma_wait3A_122 = tpu.memref_slice %arg9[%dma_wait3A_119, %dma_wait3A_120, %dma_wait3A_121] : memref<2x128x128xf32, #tpu.memory_space<vmem>> -> memref<1x128x128xf32, #tpu.memory_space<vmem>>
        %dma_wait3A_123 = tpu.memref_squeeze %dma_wait3A_122 : memref<1x128x128xf32, #tpu.memory_space<vmem>> -> memref<128x128xf32, #tpu.memory_space<vmem>>
        %dma_wait3A_124 = arith.constant 0 : i32
        %dma_wait3A_125 = tpu.memref_slice %arg7[%add3A_107, %dma_wait3A_124] : memref<32x128xi32, #tpu.memory_space<vmem>> -> memref<1x128xi32, #tpu.memory_space<vmem>>
        %dma_wait3A_126 = tpu.memref_squeeze %dma_wait3A_125 : memref<1x128xi32, #tpu.memory_space<vmem>> -> memref<128xi32, #tpu.memory_space<vmem>>
        %dma_wait3A_127 = arith.constant 0 : i32
        %dma_wait3A_128 = arith.constant 0 : i32
        %dma_wait3A_129 = tpu.memref_slice %arg4[%dma_wait3A_127, %dma_wait3A_128] : memref<10240x128xf32, #tpu.memory_space<hbm>> -> memref<10240x128xf32, #tpu.memory_space<hbm>>
        tpu.wait_indirect_dma semaphore(%arg11 : memref<!tpu.dma_semaphore, #tpu.memory_space<semaphore_mem>>) src(%dma_wait3A_129 : memref<10240x128xf32, #tpu.memory_space<hbm>>) dst(%dma_wait3A_123 : memref<128x128xf32, #tpu.memory_space<vmem>>)
        %dma_start3A_130 = arith.constant 0 : i32
        %dma_start3A_131 = arith.constant 0 : i32
        %dma_start3A_132 = arith.constant 0 : i32
        %dma_start3A_133 = tpu.memref_slice %arg9[%dma_start3A_130, %dma_start3A_131, %dma_start3A_132] : memref<2x128x128xf32, #tpu.memory_space<vmem>> -> memref<1x128x128xf32, #tpu.memory_space<vmem>>
        %dma_start3A_134 = tpu.memref_squeeze %dma_start3A_133 : memref<1x128x128xf32, #tpu.memory_space<vmem>> -> memref<128x128xf32, #tpu.memory_space<vmem>>
        %dma_start3A_135 = arith.constant 0 : i32
        %dma_start3A_136 = tpu.memref_slice %arg8[%add3A_107, %dma_start3A_135] : memref<32x128xi32, #tpu.memory_space<vmem>> -> memref<1x128xi32, #tpu.memory_space<vmem>>
        %dma_start3A_137 = tpu.memref_squeeze %dma_start3A_136 : memref<1x128xi32, #tpu.memory_space<vmem>> -> memref<128xi32, #tpu.memory_space<vmem>>
        %dma_start3A_138 = arith.constant 0 : i32
        %dma_start3A_139 = arith.constant 0 : i32
        %dma_start3A_140 = tpu.memref_slice %arg10[%dma_start3A_138, %dma_start3A_139] : memref<10240x128xf32, #tpu.memory_space<vmem_shared>> -> memref<10240x128xf32, #tpu.memory_space<vmem_shared>>
        tpu.enqueue_indirect_dma source(%dma_start3A_134 : memref<128x128xf32, #tpu.memory_space<vmem>>) target(%dma_start3A_140 : memref<10240x128xf32, #tpu.memory_space<vmem_shared>>) offsets(%dma_start3A_137 : memref<128xi32, #tpu.memory_space<vmem>>) semaphore(%arg13 : memref<!tpu.dma_semaphore, #tpu.memory_space<semaphore_mem>>) {add = true}
        %add3A_141 = arith.constant 1 : i32
        %add3A_142 = arith.addi %add3A_105, %add3A_141 : i32
        %add3A_143 = arith.constant 1 : i32
        %add3A_144 = arith.addi %add3A_142, %add3A_143 : i32
        %ge3A_145 = arith.constant 2 : i32
        %ge3A_146 = arith.cmpi sge, %add3A_144, %ge3A_145 : i32
        %lt3A_147 = arith.constant 32 : i32
        %lt3A_148 = arith.cmpi slt, %add3A_144, %lt3A_147 : i32
        %and3A_149 = arith.andi %ge3A_146, %lt3A_148 : i1
        %convert_element_type3A_150 = arith.extui %and3A_149 : i1 to i32
        %cond3A_151 = arith.constant 0 : i32
        %cond3A_152 = arith.cmpi ne, %convert_element_type3A_150, %cond3A_151 : i32
        scf.if %cond3A_152 {
          %sub3A_180 = arith.constant 2 : i32
          %sub3A_181 = arith.subi %add3A_144, %sub3A_180 : i32
          %dma_wait3A_182 = arith.constant 0 : i32
          %dma_wait3A_183 = arith.constant 0 : i32
          %dma_wait3A_184 = arith.constant 0 : i32
          %dma_wait3A_185 = tpu.memref_slice %arg9[%dma_wait3A_182, %dma_wait3A_183, %dma_wait3A_184] : memref<2x128x128xf32, #tpu.memory_space<vmem>> -> memref<1x128x128xf32, #tpu.memory_space<vmem>>
          %dma_wait3A_186 = tpu.memref_squeeze %dma_wait3A_185 : memref<1x128x128xf32, #tpu.memory_space<vmem>> -> memref<128x128xf32, #tpu.memory_space<vmem>>
          %dma_wait3A_187 = arith.constant 0 : i32
          %dma_wait3A_188 = tpu.memref_slice %arg8[%sub3A_181, %dma_wait3A_187] : memref<32x128xi32, #tpu.memory_space<vmem>> -> memref<1x128xi32, #tpu.memory_space<vmem>>
          %dma_wait3A_189 = tpu.memref_squeeze %dma_wait3A_188 : memref<1x128xi32, #tpu.memory_space<vmem>> -> memref<128xi32, #tpu.memory_space<vmem>>
          %dma_wait3A_190 = arith.constant 0 : i32
          %dma_wait3A_191 = arith.constant 0 : i32
          %dma_wait3A_192 = tpu.memref_slice %arg10[%dma_wait3A_190, %dma_wait3A_191] : memref<10240x128xf32, #tpu.memory_space<vmem_shared>> -> memref<10240x128xf32, #tpu.memory_space<vmem_shared>>
          tpu.wait_indirect_dma semaphore(%arg13 : memref<!tpu.dma_semaphore, #tpu.memory_space<semaphore_mem>>) src(%dma_wait3A_186 : memref<128x128xf32, #tpu.memory_space<vmem>>) dst(%dma_wait3A_192 : memref<10240x128xf32, #tpu.memory_space<vmem_shared>>)
          %dma_start3A_193 = arith.constant 0 : i32
          %dma_start3A_194 = arith.constant 0 : i32
          %dma_start3A_195 = arith.constant 0 : i32
          %dma_start3A_196 = tpu.memref_slice %arg9[%dma_start3A_193, %dma_start3A_194, %dma_start3A_195] : memref<2x128x128xf32, #tpu.memory_space<vmem>> -> memref<1x128x128xf32, #tpu.memory_space<vmem>>
          %dma_start3A_197 = tpu.memref_squeeze %dma_start3A_196 : memref<1x128x128xf32, #tpu.memory_space<vmem>> -> memref<128x128xf32, #tpu.memory_space<vmem>>
          %dma_start3A_198 = arith.constant 0 : i32
          %dma_start3A_199 = tpu.memref_slice %arg7[%add3A_144, %dma_start3A_198] : memref<32x128xi32, #tpu.memory_space<vmem>> -> memref<1x128xi32, #tpu.memory_space<vmem>>
          %dma_start3A_200 = tpu.memref_squeeze %dma_start3A_199 : memref<1x128xi32, #tpu.memory_space<vmem>> -> memref<128xi32, #tpu.memory_space<vmem>>
          %dma_start3A_201 = arith.constant 0 : i32
          %dma_start3A_202 = arith.constant 0 : i32
          %dma_start3A_203 = tpu.memref_slice %arg4[%dma_start3A_201, %dma_start3A_202] : memref<10240x128xf32, #tpu.memory_space<hbm>> -> memref<10240x128xf32, #tpu.memory_space<hbm>>
          tpu.enqueue_indirect_dma source(%dma_start3A_203 : memref<10240x128xf32, #tpu.memory_space<hbm>>) target(%dma_start3A_197 : memref<128x128xf32, #tpu.memory_space<vmem>>) offsets(%dma_start3A_200 : memref<128xi32, #tpu.memory_space<vmem>>) semaphore(%arg11 : memref<!tpu.dma_semaphore, #tpu.memory_space<semaphore_mem>>)
        } else {
        }
        %eq3A_153 = arith.constant 1 : i32
        %eq3A_154 = arith.cmpi eq, %add3A_144, %eq3A_153 : i32
        %convert_element_type3A_155 = arith.extui %eq3A_154 : i1 to i32
        %cond3A_156 = arith.constant 0 : i32
        %cond3A_157 = arith.cmpi ne, %convert_element_type3A_155, %cond3A_156 : i32
        scf.if %cond3A_157 {
          %dma_start3A_180 = arith.constant 0 : i32
          %dma_start3A_181 = arith.constant 0 : i32
          %dma_start3A_182 = arith.constant 0 : i32
          %dma_start3A_183 = tpu.memref_slice %arg9[%dma_start3A_180, %dma_start3A_181, %dma_start3A_182] : memref<2x128x128xf32, #tpu.memory_space<vmem>> -> memref<1x128x128xf32, #tpu.memory_space<vmem>>
          %dma_start3A_184 = tpu.memref_squeeze %dma_start3A_183 : memref<1x128x128xf32, #tpu.memory_space<vmem>> -> memref<128x128xf32, #tpu.memory_space<vmem>>
          %dma_start3A_185 = arith.constant 0 : i32
          %dma_start3A_186 = tpu.memref_slice %arg7[%add3A_144, %dma_start3A_185] : memref<32x128xi32, #tpu.memory_space<vmem>> -> memref<1x128xi32, #tpu.memory_space<vmem>>
          %dma_start3A_187 = tpu.memref_squeeze %dma_start3A_186 : memref<1x128xi32, #tpu.memory_space<vmem>> -> memref<128xi32, #tpu.memory_space<vmem>>
          %dma_start3A_188 = arith.constant 0 : i32
          %dma_start3A_189 = arith.constant 0 : i32
          %dma_start3A_190 = tpu.memref_slice %arg4[%dma_start3A_188, %dma_start3A_189] : memref<10240x128xf32, #tpu.memory_space<hbm>> -> memref<10240x128xf32, #tpu.memory_space<hbm>>
          tpu.enqueue_indirect_dma source(%dma_start3A_190 : memref<10240x128xf32, #tpu.memory_space<hbm>>) target(%dma_start3A_184 : memref<128x128xf32, #tpu.memory_space<vmem>>) offsets(%dma_start3A_187 : memref<128xi32, #tpu.memory_space<vmem>>) semaphore(%arg11 : memref<!tpu.dma_semaphore, #tpu.memory_space<semaphore_mem>>)
        } else {
        }
        %dma_wait3A_158 = arith.constant 1 : i32
        %dma_wait3A_159 = arith.constant 0 : i32
        %dma_wait3A_160 = arith.constant 0 : i32
        %dma_wait3A_161 = tpu.memref_slice %arg9[%dma_wait3A_158, %dma_wait3A_159, %dma_wait3A_160] : memref<2x128x128xf32, #tpu.memory_space<vmem>> -> memref<1x128x128xf32, #tpu.memory_space<vmem>>
        %dma_wait3A_162 = tpu.memref_squeeze %dma_wait3A_161 : memref<1x128x128xf32, #tpu.memory_space<vmem>> -> memref<128x128xf32, #tpu.memory_space<vmem>>
        %dma_wait3A_163 = arith.constant 0 : i32
        %dma_wait3A_164 = tpu.memref_slice %arg7[%add3A_142, %dma_wait3A_163] : memref<32x128xi32, #tpu.memory_space<vmem>> -> memref<1x128xi32, #tpu.memory_space<vmem>>
        %dma_wait3A_165 = tpu.memref_squeeze %dma_wait3A_164 : memref<1x128xi32, #tpu.memory_space<vmem>> -> memref<128xi32, #tpu.memory_space<vmem>>
        %dma_wait3A_166 = arith.constant 0 : i32
        %dma_wait3A_167 = arith.constant 0 : i32
        %dma_wait3A_168 = tpu.memref_slice %arg4[%dma_wait3A_166, %dma_wait3A_167] : memref<10240x128xf32, #tpu.memory_space<hbm>> -> memref<10240x128xf32, #tpu.memory_space<hbm>>
        tpu.wait_indirect_dma semaphore(%arg12 : memref<!tpu.dma_semaphore, #tpu.memory_space<semaphore_mem>>) src(%dma_wait3A_168 : memref<10240x128xf32, #tpu.memory_space<hbm>>) dst(%dma_wait3A_162 : memref<128x128xf32, #tpu.memory_space<vmem>>)
        %dma_start3A_169 = arith.constant 1 : i32
        %dma_start3A_170 = arith.constant 0 : i32
        %dma_start3A_171 = arith.constant 0 : i32
        %dma_start3A_172 = tpu.memref_slice %arg9[%dma_start3A_169, %dma_start3A_170, %dma_start3A_171] : memref<2x128x128xf32, #tpu.memory_space<vmem>> -> memref<1x128x128xf32, #tpu.memory_space<vmem>>
        %dma_start3A_173 = tpu.memref_squeeze %dma_start3A_172 : memref<1x128x128xf32, #tpu.memory_space<vmem>> -> memref<128x128xf32, #tpu.memory_space<vmem>>
        %dma_start3A_174 = arith.constant 0 : i32
        %dma_start3A_175 = tpu.memref_slice %arg8[%add3A_142, %dma_start3A_174] : memref<32x128xi32, #tpu.memory_space<vmem>> -> memref<1x128xi32, #tpu.memory_space<vmem>>
        %dma_start3A_176 = tpu.memref_squeeze %dma_start3A_175 : memref<1x128xi32, #tpu.memory_space<vmem>> -> memref<128xi32, #tpu.memory_space<vmem>>
        %dma_start3A_177 = arith.constant 0 : i32
        %dma_start3A_178 = arith.constant 0 : i32
        %dma_start3A_179 = tpu.memref_slice %arg10[%dma_start3A_177, %dma_start3A_178] : memref<10240x128xf32, #tpu.memory_space<vmem_shared>> -> memref<10240x128xf32, #tpu.memory_space<vmem_shared>>
        tpu.enqueue_indirect_dma source(%dma_start3A_173 : memref<128x128xf32, #tpu.memory_space<vmem>>) target(%dma_start3A_179 : memref<10240x128xf32, #tpu.memory_space<vmem_shared>>) offsets(%dma_start3A_176 : memref<128xi32, #tpu.memory_space<vmem>>) semaphore(%arg14 : memref<!tpu.dma_semaphore, #tpu.memory_space<semaphore_mem>>) {add = true}
      }
      %scan3A_77 = arith.constant 16 : i32
      %dma_wait3A = arith.constant 0 : i32
      %dma_wait3A_78 = arith.constant 30 : i32
      %dma_wait3A_79 = arith.constant 0 : i32
      %dma_wait3A_80 = arith.constant 0 : i32
      %dma_wait3A_81 = tpu.memref_slice %arg9[%dma_wait3A, %dma_wait3A_79, %dma_wait3A_80] : memref<2x128x128xf32, #tpu.memory_space<vmem>> -> memref<1x128x128xf32, #tpu.memory_space<vmem>>
      %dma_wait3A_82 = tpu.memref_squeeze %dma_wait3A_81 : memref<1x128x128xf32, #tpu.memory_space<vmem>> -> memref<128x128xf32, #tpu.memory_space<vmem>>
      %dma_wait3A_83 = arith.constant 0 : i32
      %dma_wait3A_84 = tpu.memref_slice %arg8[%dma_wait3A_78, %dma_wait3A_83] : memref<32x128xi32, #tpu.memory_space<vmem>> -> memref<1x128xi32, #tpu.memory_space<vmem>>
      %dma_wait3A_85 = tpu.memref_squeeze %dma_wait3A_84 : memref<1x128xi32, #tpu.memory_space<vmem>> -> memref<128xi32, #tpu.memory_space<vmem>>
      %dma_wait3A_86 = arith.constant 0 : i32
      %dma_wait3A_87 = arith.constant 0 : i32
      %dma_wait3A_88 = tpu.memref_slice %arg10[%dma_wait3A_86, %dma_wait3A_87] : memref<10240x128xf32, #tpu.memory_space<vmem_shared>> -> memref<10240x128xf32, #tpu.memory_space<vmem_shared>>
      tpu.wait_indirect_dma semaphore(%arg13 : memref<!tpu.dma_semaphore, #tpu.memory_space<semaphore_mem>>) src(%dma_wait3A_82 : memref<128x128xf32, #tpu.memory_space<vmem>>) dst(%dma_wait3A_88 : memref<10240x128xf32, #tpu.memory_space<vmem_shared>>)
      %dma_wait3A_89 = arith.constant 1 : i32
      %dma_wait3A_90 = arith.constant 31 : i32
      %dma_wait3A_91 = arith.constant 0 : i32
      %dma_wait3A_92 = arith.constant 0 : i32
      %dma_wait3A_93 = tpu.memref_slice %arg9[%dma_wait3A_89, %dma_wait3A_91, %dma_wait3A_92] : memref<2x128x128xf32, #tpu.memory_space<vmem>> -> memref<1x128x128xf32, #tpu.memory_space<vmem>>
      %dma_wait3A_94 = tpu.memref_squeeze %dma_wait3A_93 : memref<1x128x128xf32, #tpu.memory_space<vmem>> -> memref<128x128xf32, #tpu.memory_space<vmem>>
      %dma_wait3A_95 = arith.constant 0 : i32
      %dma_wait3A_96 = tpu.memref_slice %arg8[%dma_wait3A_90, %dma_wait3A_95] : memref<32x128xi32, #tpu.memory_space<vmem>> -> memref<1x128xi32, #tpu.memory_space<vmem>>
      %dma_wait3A_97 = tpu.memref_squeeze %dma_wait3A_96 : memref<1x128xi32, #tpu.memory_space<vmem>> -> memref<128xi32, #tpu.memory_space<vmem>>
      %dma_wait3A_98 = arith.constant 0 : i32
      %dma_wait3A_99 = arith.constant 0 : i32
      %dma_wait3A_100 = tpu.memref_slice %arg10[%dma_wait3A_98, %dma_wait3A_99] : memref<10240x128xf32, #tpu.memory_space<vmem_shared>> -> memref<10240x128xf32, #tpu.memory_space<vmem_shared>>
      tpu.wait_indirect_dma semaphore(%arg14 : memref<!tpu.dma_semaphore, #tpu.memory_space<semaphore_mem>>) src(%dma_wait3A_94 : memref<128x128xf32, #tpu.memory_space<vmem>>) dst(%dma_wait3A_100 : memref<10240x128xf32, #tpu.memory_space<vmem_shared>>)
    }
    %barrier3A_49 = arith.constant 0 : index
    tpu.barrier barrier_id(%barrier3A_49)
    %mul3A_50 = arith.constant 640 : i32
    %mul3A_51 = arith.muli %arg1, %mul3A_50 : i32
    %mul3A_52 = arith.constant 10240 : i32
    %mul3A_53 = arith.muli %arg0, %mul3A_52 : i32
    %mul3A_54 = arith.constant 640 : i32
    %mul3A_55 = arith.muli %arg1, %mul3A_54 : i32
    %add3A_56 = arith.addi %mul3A_53, %mul3A_55 : i32
    "tpu.region"() ({
      %run_scoped3A = tpu.sem_alloc : memref<!tpu.dma_semaphore, #tpu.memory_space<semaphore_mem>>
      %dma_start3A = arith.constant 0 : i32
      %dma_start3A_57 = tpu.memref_slice %arg6[%add3A_56, %dma_start3A] : memref<20480x128xf32, #tpu.memory_space<hbm>> -> memref<640x128xf32, #tpu.memory_space<hbm>>
      %dma_start3A_58 = arith.constant 0 : i32
      %dma_start3A_59 = tpu.memref_slice %arg10[%mul3A_51, %dma_start3A_58] : memref<10240x128xf32, #tpu.memory_space<vmem_shared>> -> memref<640x128xf32, #tpu.memory_space<vmem_shared>>
      tpu.enqueue_dma source(%dma_start3A_59 : memref<640x128xf32, #tpu.memory_space<vmem_shared>>) target(%dma_start3A_57 : memref<640x128xf32, #tpu.memory_space<hbm>>) target_semaphore(%run_scoped3A : memref<!tpu.dma_semaphore, #tpu.memory_space<semaphore_mem>>)
      %dma_wait3A = arith.constant 0 : i32
      %dma_wait3A_60 = tpu.memref_slice %arg6[%add3A_56, %dma_wait3A] : memref<20480x128xf32, #tpu.memory_space<hbm>> -> memref<640x128xf32, #tpu.memory_space<hbm>>
      %dma_wait3A_61 = arith.constant 0 : i32
      %dma_wait3A_62 = tpu.memref_slice %arg10[%mul3A_51, %dma_wait3A_61] : memref<10240x128xf32, #tpu.memory_space<vmem_shared>> -> memref<640x128xf32, #tpu.memory_space<vmem_shared>>
      tpu.wait_dma2 semaphore(%run_scoped3A : memref<!tpu.dma_semaphore, #tpu.memory_space<semaphore_mem>>) src(%dma_wait3A_62 : memref<640x128xf32, #tpu.memory_space<vmem_shared>>) dst(%dma_wait3A_60 : memref<640x128xf32, #tpu.memory_space<hbm>>)
      tpu.yield
    }) : () -> ()
    return
  }
}

module attributes {stable_mosaic.version = 14 : i64} {
  func.func @_mm_body(%arg0: i32, %arg1: memref<1000x128xf32, #tpu.memory_space<vmem>>, %arg2: memref<128x128xf32, #tpu.memory_space<vmem>>, %arg3: memref<1000x128xf32, #tpu.memory_space<vmem>>, %arg4: memref<1000x128xf32, #tpu.memory_space<vmem>>, %arg5: memref<1000x128xf32, #tpu.memory_space<vmem>>) attributes {dimension_semantics = [#tpu.dimension_semantics<arbitrary>], iteration_bounds = array<i64: 10>, scalar_prefetch = 0 : i64, scratch_operands = 0 : i64, tpu.core_type = #tpu.core_type<tc>, window_params = [{transform_indices = @transform_0, window_bounds = array<i64: 1000, 128>}, {pipeline_mode = #tpu.pipeline_mode<synchronous>, transform_indices = @transform_1, window_bounds = array<i64: 128, 128>}, {transform_indices = @transform_2, window_bounds = array<i64: 1000, 128>}, {transform_indices = @transform_3, window_bounds = array<i64: 1000, 128>}, {transform_indices = @transform_4, window_bounds = array<i64: 1000, 128>}]} {
    %get3A = arith.constant 0 : index
    %get3A_0 = arith.constant 0 : index
    %get3A_1 = vector.load %arg3[%get3A, %get3A_0] : memref<1000x128xf32, #tpu.memory_space<vmem>>, vector<1000x1xf32>
    %get3A_2 = arith.constant 0 : index
    %get3A_3 = arith.constant 0 : index
    %get3A_4 = vector.load %arg4[%get3A_2, %get3A_3] : memref<1000x128xf32, #tpu.memory_space<vmem>>, vector<1000x1xf32>
    %add3A = arith.addf %get3A_1, %get3A_4 : vector<1000x1xf32>
    %add3A_5 = arith.constant 1.000000e+00 : f32
    %add3A_6 = vector.broadcast %add3A_5 : f32 to vector<1000x1xf32>
    %add3A_7 = arith.addf %add3A, %add3A_6 : vector<1000x1xf32>
    %rsqrt3A = math.rsqrt %add3A_7 : vector<1000x1xf32>
    %get3A_8 = arith.constant 0 : index
    %get3A_9 = arith.constant 0 : index
    %get3A_10 = vector.load %arg1[%get3A_8, %get3A_9] : memref<1000x128xf32, #tpu.memory_space<vmem>>, vector<1000x128xf32>
    %get3A_11 = arith.constant 0 : index
    %get3A_12 = arith.constant 0 : index
    %get3A_13 = vector.load %arg2[%get3A_11, %get3A_12] : memref<128x128xf32, #tpu.memory_space<vmem>>, vector<128x128xf32>
    %dot_general3A = arith.constant dense<0.000000e+00> : vector<1000x128xf32>
    %dot_general3A_14 = tpu.matmul %get3A_10, %get3A_13, %dot_general3A {dimension_numbers = #tpu.dot_dimension_numbers<[1], [0], [0], [1], [0, 0, 1, 1], [], []>, transpose_lhs_hint = false} : vector<1000x128xf32>, vector<128x128xf32>, vector<1000x128xf32> -> vector<1000x128xf32>
    %mul3A = vector.broadcast %rsqrt3A : vector<1000x1xf32> to vector<1000x128xf32>
    %mul3A_15 = arith.mulf %dot_general3A_14, %mul3A : vector<1000x128xf32>
    %swap3A = arith.constant 0 : index
    %swap3A_16 = arith.constant 0 : index
    %swap3A_17 = vector.load %arg5[%swap3A, %swap3A_16] : memref<1000x128xf32, #tpu.memory_space<vmem>>, vector<1000x128xf32>
    tpu.vector_store %arg5[%swap3A, %swap3A_16], %mul3A_15 {strides = array<i32>} : memref<1000x128xf32, #tpu.memory_space<vmem>>, vector<1000x128xf32>,
    return
  }
  func.func @transform_0(%arg0: i32) -> (i32, i32) {
    %c0_i32 = arith.constant 0 : i32
    %c0_i32_0 = arith.constant 0 : i32
    return %arg0, %c0_i32 : i32, i32
  }
  func.func @transform_1(%arg0: i32) -> (i32, i32) {
    %c0_i32 = arith.constant 0 : i32
    %c0_i32_0 = arith.constant 0 : i32
    %c0_i32_1 = arith.constant 0 : i32
    return %c0_i32, %c0_i32_0 : i32, i32
  }
  func.func @transform_2(%arg0: i32) -> (i32, i32) {
    %c0_i32 = arith.constant 0 : i32
    %c0_i32_0 = arith.constant 0 : i32
    return %arg0, %c0_i32 : i32, i32
  }
  func.func @transform_3(%arg0: i32) -> (i32, i32) {
    %c0_i32 = arith.constant 0 : i32
    %c0_i32_0 = arith.constant 0 : i32
    return %arg0, %c0_i32 : i32, i32
  }
  func.func @transform_4(%arg0: i32) -> (i32, i32) {
    %c0_i32 = arith.constant 0 : i32
    %c0_i32_0 = arith.constant 0 : i32
    return %arg0, %c0_i32 : i32, i32
  }
}

module attributes {stable_mosaic.version = 14 : i64} {
  func.func @_final_body(%arg0: i32, %arg1: memref<1000x128xf32, #tpu.memory_space<vmem>>, %arg2: memref<1000x128xf32, #tpu.memory_space<vmem>>, %arg3: memref<1000x128xf32, #tpu.memory_space<vmem>>, %arg4: memref<1000x128xf32, #tpu.memory_space<vmem>>, %arg5: memref<1000x128xf32, #tpu.memory_space<vmem>>, %arg6: memref<1x128xf32, #tpu.memory_space<vmem>>, %arg7: memref<1xf32, #tpu.memory_space<smem>>, %arg8: memref<1xf32, #tpu.memory_space<smem>>, %arg9: memref<1000x128xf32, #tpu.memory_space<vmem>>) attributes {dimension_semantics = [#tpu.dimension_semantics<arbitrary>], iteration_bounds = array<i64: 10>, scalar_prefetch = 0 : i64, scratch_operands = 0 : i64, tpu.core_type = #tpu.core_type<tc>, window_params = [{transform_indices = @transform_0, window_bounds = array<i64: 1000, 128>}, {transform_indices = @transform_1, window_bounds = array<i64: 1000, 128>}, {transform_indices = @transform_2, window_bounds = array<i64: 1000, 128>}, {transform_indices = @transform_3, window_bounds = array<i64: 1000, 128>}, {transform_indices = @transform_4, window_bounds = array<i64: 1000, 128>}, {pipeline_mode = #tpu.pipeline_mode<synchronous>, transform_indices = @transform_5, window_bounds = array<i64: 1, 128>}, {transform_indices = @transform_6, window_bounds = array<i64: 1>}, {transform_indices = @transform_7, window_bounds = array<i64: 1>}, {transform_indices = @transform_8, window_bounds = array<i64: 1000, 128>}]} {
    %get3A = arith.constant 0 : index
    %get3A_0 = arith.constant 0 : index
    %get3A_1 = vector.load %arg4[%get3A, %get3A_0] : memref<1000x128xf32, #tpu.memory_space<vmem>>, vector<1000x1xf32>
    %get3A_2 = arith.constant 0 : index
    %get3A_3 = arith.constant 0 : index
    %get3A_4 = vector.load %arg5[%get3A_2, %get3A_3] : memref<1000x128xf32, #tpu.memory_space<vmem>>, vector<1000x1xf32>
    %add3A = arith.addf %get3A_1, %get3A_4 : vector<1000x1xf32>
    %add3A_5 = arith.constant 1.000000e+00 : f32
    %add3A_6 = vector.broadcast %add3A_5 : f32 to vector<1000x1xf32>
    %add3A_7 = arith.addf %add3A, %add3A_6 : vector<1000x1xf32>
    %rsqrt3A = math.rsqrt %add3A_7 : vector<1000x1xf32>
    %get3A_8 = arith.constant 0 : index
    %get3A_9 = arith.constant 0 : index
    %get3A_10 = vector.load %arg1[%get3A_8, %get3A_9] : memref<1000x128xf32, #tpu.memory_space<vmem>>, vector<1000x128xf32>
    %get3A_11 = arith.constant 0 : index
    %get3A_12 = arith.constant 0 : index
    %get3A_13 = vector.load %arg2[%get3A_11, %get3A_12] : memref<1000x128xf32, #tpu.memory_space<vmem>>, vector<1000x128xf32>
    %add3A_14 = arith.addf %get3A_10, %get3A_13 : vector<1000x128xf32>
    %get3A_15 = arith.constant 0 : index
    %get3A_16 = arith.constant 0 : index
    %get3A_17 = vector.load %arg3[%get3A_15, %get3A_16] : memref<1000x128xf32, #tpu.memory_space<vmem>>, vector<1000x128xf32>
    %add3A_18 = arith.addf %add3A_14, %get3A_17 : vector<1000x128xf32>
    %mul3A = vector.broadcast %rsqrt3A : vector<1000x1xf32> to vector<1000x128xf32>
    %mul3A_19 = arith.mulf %mul3A, %add3A_18 : vector<1000x128xf32>
    %get3A_20 = arith.constant 0 : index
    %get3A_21 = arith.constant 0 : index
    %get3A_22 = vector.load %arg6[%get3A_20, %get3A_21] : memref<1x128xf32, #tpu.memory_space<vmem>>, vector<1x128xf32>
    %add3A_23 = vector.broadcast %get3A_22 : vector<1x128xf32> to vector<1000x128xf32>
    %add3A_24 = arith.addf %mul3A_19, %add3A_23 : vector<1000x128xf32>
    %get3A_25 = arith.constant 0 : index
    %get3A_26 = memref.load %arg8[%get3A_25] : memref<1xf32, #tpu.memory_space<smem>>
    %div3A = vector.broadcast %get3A_26 : f32 to vector<1000x128xf32>
    %div3A_27 = arith.divf %add3A_24, %div3A : vector<1000x128xf32>
    %reduce_max3A = arith.constant dense<0xFF800000> : vector<1000xf32>
    %reduce_max3A_28 = vector.multi_reduction <maximumf>, %div3A_27, %reduce_max3A [1] : vector<1000x128xf32> to vector<1000xf32>
    %broadcast_in_dim3A = vector.shape_cast %reduce_max3A_28 : vector<1000xf32> to vector<1000x1xf32>
    %sub3A = vector.broadcast %broadcast_in_dim3A : vector<1000x1xf32> to vector<1000x128xf32>
    %sub3A_29 = arith.subf %div3A_27, %sub3A : vector<1000x128xf32>
    %exp3A = math.exp %sub3A_29 : vector<1000x128xf32>
    %reduce_sum3A = arith.constant dense<0.000000e+00> : vector<1000xf32>
    %reduce_sum3A_30 = vector.multi_reduction <add>, %exp3A, %reduce_sum3A [1] : vector<1000x128xf32> to vector<1000xf32>
    %broadcast_in_dim3A_31 = vector.shape_cast %reduce_sum3A_30 : vector<1000xf32> to vector<1000x1xf32>
    %div3A_32 = vector.broadcast %broadcast_in_dim3A_31 : vector<1000x1xf32> to vector<1000x128xf32>
    %div3A_33 = arith.divf %exp3A, %div3A_32 : vector<1000x128xf32>
    %add3A_34 = arith.constant 9.99999996E-13 : f32
    %add3A_35 = vector.broadcast %add3A_34 : f32 to vector<1000x128xf32>
    %add3A_36 = arith.addf %div3A_33, %add3A_35 : vector<1000x128xf32>
    %log3A = math.log %add3A_36 : vector<1000x128xf32>
    %mul3A_37 = arith.mulf %div3A_33, %log3A : vector<1000x128xf32>
    %reduce_sum3A_38 = arith.constant dense<0.000000e+00> : vector<1000xf32>
    %reduce_sum3A_39 = vector.multi_reduction <add>, %mul3A_37, %reduce_sum3A_38 [1] : vector<1000x128xf32> to vector<1000xf32>
    %broadcast_in_dim3A_40 = vector.shape_cast %reduce_sum3A_39 : vector<1000xf32> to vector<1000x1xf32>
    %neg3A = arith.constant 0.000000e+00 : f32
    %neg3A_41 = vector.broadcast %neg3A : f32 to vector<1000x1xf32>
    %neg3A_42 = arith.subf %neg3A_41, %broadcast_in_dim3A_40 : vector<1000x1xf32>
    %add3A_43 = vector.broadcast %neg3A_42 : vector<1000x1xf32> to vector<1000x128xf32>
    %add3A_44 = arith.addf %log3A, %add3A_43 : vector<1000x128xf32>
    %mul3A_45 = arith.mulf %div3A_33, %add3A_44 : vector<1000x128xf32>
    %neg3A_46 = arith.constant 0.000000e+00 : f32
    %neg3A_47 = vector.broadcast %neg3A_46 : f32 to vector<1000x128xf32>
    %neg3A_48 = arith.subf %neg3A_47, %mul3A_45 : vector<1000x128xf32>
    %div3A_49 = vector.broadcast %get3A_26 : f32 to vector<1000x128xf32>
    %div3A_50 = arith.divf %neg3A_48, %div3A_49 : vector<1000x128xf32>
    %get3A_51 = arith.constant 0 : index
    %get3A_52 = memref.load %arg7[%get3A_51] : memref<1xf32, #tpu.memory_space<smem>>
    %mul3A_53 = vector.broadcast %get3A_52 : f32 to vector<1000x128xf32>
    %mul3A_54 = arith.mulf %mul3A_53, %div3A_50 : vector<1000x128xf32>
    %add3A_55 = arith.addf %add3A_24, %mul3A_54 : vector<1000x128xf32>
    %swap3A = arith.constant 0 : index
    %swap3A_56 = arith.constant 0 : index
    %swap3A_57 = vector.load %arg9[%swap3A, %swap3A_56] : memref<1000x128xf32, #tpu.memory_space<vmem>>, vector<1000x128xf32>
    tpu.vector_store %arg9[%swap3A, %swap3A_56], %add3A_55 {strides = array<i32>} : memref<1000x128xf32, #tpu.memory_space<vmem>>, vector<1000x128xf32>,
    return
  }
  func.func @transform_0(%arg0: i32) -> (i32, i32) {
    %c0_i32 = arith.constant 0 : i32
    %c0_i32_0 = arith.constant 0 : i32
    return %arg0, %c0_i32 : i32, i32
  }
  func.func @transform_1(%arg0: i32) -> (i32, i32) {
    %c0_i32 = arith.constant 0 : i32
    %c0_i32_0 = arith.constant 0 : i32
    return %arg0, %c0_i32 : i32, i32
  }
  func.func @transform_2(%arg0: i32) -> (i32, i32) {
    %c0_i32 = arith.constant 0 : i32
    %c0_i32_0 = arith.constant 0 : i32
    return %arg0, %c0_i32 : i32, i32
  }
  func.func @transform_3(%arg0: i32) -> (i32, i32) {
    %c0_i32 = arith.constant 0 : i32
    %c0_i32_0 = arith.constant 0 : i32
    return %arg0, %c0_i32 : i32, i32
  }
  func.func @transform_4(%arg0: i32) -> (i32, i32) {
    %c0_i32 = arith.constant 0 : i32
    %c0_i32_0 = arith.constant 0 : i32
    return %arg0, %c0_i32 : i32, i32
  }
  func.func @transform_5(%arg0: i32) -> (i32, i32) {
    %c0_i32 = arith.constant 0 : i32
    %c0_i32_0 = arith.constant 0 : i32
    %c0_i32_1 = arith.constant 0 : i32
    return %c0_i32, %c0_i32_0 : i32, i32
  }
  func.func @transform_6(%arg0: i32) -> i32 {
    %c0_i32 = arith.constant 0 : i32
    %c0_i32_0 = arith.constant 0 : i32
    return %c0_i32 : i32
  }
  func.func @transform_7(%arg0: i32) -> i32 {
    %c0_i32 = arith.constant 0 : i32
    %c0_i32_0 = arith.constant 0 : i32
    return %c0_i32 : i32
  }
  func.func @transform_8(%arg0: i32) -> (i32, i32) {
    %c0_i32 = arith.constant 0 : i32
    %c0_i32_0 = arith.constant 0 : i32
    return %arg0, %c0_i32 : i32, i32
  }
}

</mosaic_0001>

<sc_bundles>
// kernel: kernel.6.cloned.1.call-start
scs
__scs_entry_jumppad:
0x0: {  	(pc) =	sbr.rel $0x88, $3  }
0x1: {  	(tag) =	ssettag $0x0;
	lr =	simm.s32 $0x1  }
0x2: {  	[smem:$0x3F9B] =	sst lr;
	_ =	strace $0xD0000000  }
0x3: {  	_ = 	snop  }
0x4: {  	_ = 	snop  }
0x5: {  	_ = 	snop  }
0x6: {  	_ = 	snop  }
0x7: {  	_ = 	snop  }
__scs_overlays_trampoline_lowered:
0x8: {  	[smem:$0x3FAA] =	sst s0  }
0x9: {  	[smem:$0x3FAB] =	sst s1  }
0xa: {  	[smem:$0x3FAC] =	sst s2  }
0xb: {  	[smem:$0x3FAD] =	sst s3  }
0xc: {  	[smem:$0x3FAE] =	sst s4  }
0xd: {  	[smem:$0x3FAF] =	sst s5  }
0xe: {  	[smem:$0x3FB0] =	sst s6  }
0xf: {  	[smem:$0x3FB1] =	sst s7  }
0x10: {  	[smem:$0x3FB2] =	sst s8  }
0x11: {  	[smem:$0x3FB3] =	sst s9;
	s0 =	simm.s32 @!p0 $0x0  }
0x12: {  	s1 =	sld [smem:$0x3F99];
	s0 =	simm.s32 @p0 $0x1  }
0x13: {  	[smem:$0x3FB4] =	sst s0;
	s0 =	simm.s32 @!p1 $0x0  }
0x14: {  	s2 =	sld [smem:$0x3F98];
	s0 =	simm.s32 @p1 $0x1  }
0x15: {  	[smem:$0x3FB5] =	sst s0;
	s0 =	simm.s32 @!p2 $0x0  }
0x16: {  	s3 =	sld [smem:$0x3FDB];
	s0 =	simm.s32 @p2 $0x1  }
0x17: {  	s4 =	simm.s32 $0x1BF5;
	[smem:$0x3FB7] =	sst s0  }
0x18: {  	s0 =	sld [smem:$0x3F9A];
	_ =	swait.ge [sflag:s4], $0x0  }
0x19: {  	s7 =	sld [smem:$0x3F9B]  }
0x1a: {  	s8 =	sadd.s32 $0xFFFFE003, lr  }
0x1b: {  	s9 =	sadd.s32 $0xFFFFFEF7, lr;
	s5 =	simm.s32 $0xFFFFFFFF;
	p2 =	slt.u32 s8, $0xFFFFF086  }
0x1c: {  	p1 =	slt.u32 s9, $0xF7A;
	s5 =	simm.s32 @!p2 $0x0  }
0x1d: {  	s5 =	simm.s32 @p1 $0x1;
	p0 =	seq.s32 s7, s2  }
0x1e: {  	s7 =	smul.u32 @!p0 $0xF7A, s2;
	p2 =	seq.s32 @!p0 s5, $0x0  }
0x1f: {  	s9 =	smul.u32 $0xF7A, s1;
	s8 =	simm.s32 @!p0 $0x1BF5;
	p2 =	por !p2, p0  }
0x20: {  	[sflag:s8] =	ssyncset.s32 @!p0 $0xFFFFF086;
	s6 =	sadd.s32 @!p0 s3, s7;
	s7 =	simm.s32 @!p0 $0x108  }
0x21: {  	s3 =	sadd.s32 s3, s9;
	s6 =	sadd.s32 @!p0 $0x88, s6;
	s7 =	simm.s32 @p2 $0x1082  }
0x22: {  	[simem:s7], [sflag:s8] =	dma.local @!p0 [hbm:s6], $0xF7A  }
0x23: {  	s9 =	sor.u32 $0xD0000000, s2;
	s6 =	simm.s32 $0x108;
	_ =	swait.ge @!p0 [sflag:s8], $0x0  }
0x24: {  	s3 =	sadd.s32 $0x88, s3;
	s6 =	simm.s32 @!p1 $0x1082;
	[sflag:s4] =	ssyncset.s32 $0xFFFFF086  }
0x25: {  	[simem:s6], [sflag:s4] =	dma.local [hbm:s3], $0xF7A  }
0x26: {  	[smem:$0x3F9B] =	sst s1;
	(tag) =	ssettag s2;
	_ =	strace s9  }
0x27: {  	s1 =	sld [smem:$0x3FAB]  }
0x28: {  	s2 =	sld [smem:$0x3FAC]  }
0x29: {  	s4 =	sld [smem:$0x3FAE]  }
0x2a: {  	p0 =	seq.s32 s5, $0x0;
	s5 =	sld [smem:$0x3FAF]  }
0x2b: {  	s6 =	sld [smem:$0x3FB0]  }
0x2c: {  	s7 =	sld [smem:$0x3FB1]  }
0x2d: {  	s3 =	simm.s32 $0x108;
	s8 =	sld [smem:$0x3FB2]  }
0x2e: {  	s3 =	simm.s32 @!p0 $0x1082;
	s9 =	sld [smem:$0x3FB3]  }
0x2f: {  	lr =	sadd.s32 s0, s3;
	s0 =	sld [smem:$0x3FAA]  }
0x30: {  	s3 =	sld [smem:$0x3FAD]  }
0x31: {  	[smem:$0x3FB6] =	sst s10  }
0x32: {  	s10 =	sld [smem:$0x3FB4];
	_ =	sdelay $0x3  }
0x33: {  	p0 =	seq.s32 s10, $0x1;
	s10 =	sld [smem:$0x3FB6];
	_ =	sdelay $0x3  }
0x34: {  	[smem:$0x3FB6] =	sst s10  }
0x35: {  	s10 =	sld [smem:$0x3FB5];
	_ =	sdelay $0x3  }
0x36: {  	p1 =	seq.s32 s10, $0x1;
	s10 =	sld [smem:$0x3FB6];
	_ =	sdelay $0x3  }
0x37: {  	[smem:$0x3FB6] =	sst s10  }
0x38: {  	s10 =	sld [smem:$0x3FB7]  }
0x39: {  	_ = 	snop;
	(pc) =	sbr.ind lr, $3  }
0x3a: {  	_ = 	snop  }
0x3b: {  	_ = 	snop  }
0x3c: {  	p2 =	seq.s32 s10, $0x1;
	s10 =	sld [smem:$0x3FB6]  }
0x3d: {  	_ =	shalt  }
0x3e: {  	_ =	shalt  }
0x3f: {  	_ =	shalt  }
0x40: {  	_ =	shalt  }
0x41: {  	_ =	shalt  }
0x42: {  	_ =	shalt  }
0x43: {  	_ =	shalt  }
0x44: {  	_ =	shalt  }
0x45: {  	_ =	shalt  }
0x46: {  	_ =	shalt  }
0x47: {  	_ =	shalt  }
0x48: {  	_ =	shalt  }
0x49: {  	_ =	shalt  }
0x4a: {  	_ =	shalt  }
0x4b: {  	_ =	shalt  }
0x4c: {  	_ =	shalt  }
0x4d: {  	_ =	shalt  }
0x4e: {  	_ =	shalt  }
0x4f: {  	_ =	shalt  }
0x50: {  	_ =	shalt  }
0x51: {  	_ =	shalt  }
0x52: {  	_ =	shalt  }
0x53: {  	_ =	shalt  }
0x54: {  	_ =	shalt  }
0x55: {  	_ =	shalt  }
0x56: {  	_ =	shalt  }
0x57: {  	_ =	shalt  }
0x58: {  	_ =	shalt  }
0x59: {  	_ =	shalt  }
0x5a: {  	_ =	shalt  }
0x5b: {  	_ =	shalt  }
0x5c: {  	_ =	shalt  }
0x5d: {  	_ =	shalt  }
0x5e: {  	_ =	shalt  }
0x5f: {  	_ =	shalt  }
0x60: {  	_ =	shalt  }
0x61: {  	_ =	shalt  }
0x62: {  	_ =	shalt  }
0x63: {  	_ =	shalt  }
0x64: {  	_ =	shalt  }
0x65: {  	_ =	shalt  }
0x66: {  	_ =	shalt  }
0x67: {  	_ =	shalt  }
0x68: {  	_ =	shalt  }
0x69: {  	_ =	shalt  }
0x6a: {  	_ =	shalt  }
0x6b: {  	_ =	shalt  }
0x6c: {  	_ =	shalt  }
0x6d: {  	_ =	shalt  }
0x6e: {  	_ =	shalt  }
0x6f: {  	_ =	shalt  }
0x70: {  	_ =	shalt  }
0x71: {  	_ =	shalt  }
0x72: {  	_ =	shalt  }
0x73: {  	_ =	shalt  }
0x74: {  	_ =	shalt  }
0x75: {  	_ =	shalt  }
0x76: {  	_ =	shalt  }
0x77: {  	_ =	shalt  }
0x78: {  	_ =	shalt  }
0x79: {  	_ =	shalt  }
0x7a: {  	_ =	shalt  }
0x7b: {  	_ =	shalt  }
0x7c: {  	_ =	shalt  }
0x7d: {  	_ =	shalt  }
0x7e: {  	_ =	shalt  }
0x7f: {  	_ =	shalt  }
0x80: {  	_ =	shalt  }
0x81: {  	_ =	shalt  }
0x82: {  	_ =	shalt  }
0x83: {  	_ =	shalt  }
0x84: {  	_ =	shalt  }
0x85: {  	_ =	shalt  }
0x86: {  	_ =	shalt  }
0x87: {  	_ =	shalt  }
.Lfunc_end0:
.L_simem_size_0:
called_computation_lowered:
.L_overlay_start_0:
0x88: {  	s2 =	sld [smem:$0x3FD9]  }
0x89: {  	s3 =	sld [smem:$0x3FFE];
	_ =	sdelay $0x1  }
0x8a: {  	s1 =	srdreg.scid  }
0x8b: {  	s0 =	sand.u32 $0x1, s1  }
0x8c: {  	s17 =	sshll.u32 s0, $0xA;
	s2 =	sadd.s32 s3, s2  }
0x8d: {  	s2 =	sadd.s32 s2, s17  }
0x8e: {  	[smem:$0x3FC2] =	sst s2  }
0x8f: {  	_ = 	snop  }
0x90: {  	s2 =	sld [smem:$0x3FD0];
	(tm) =	ssettm $0x1  }
0x91: {  	s18 =	sld [smem:$0x3FFB];
	_ =	sdelay $0x3  }
0x92: {  	_ =	strace s18  }
0x93: {  	s3 =	sld [smem:$0x3FFC];
	_ =	sdelay $0x3  }
0x94: {  	_ =	strace s3  }
0x95: {  	s3 =	sld [smem:$0x3FFD];
	_ =	sdelay $0x3  }
0x96: {  	_ =	strace s3  }
0x97: {  	_ =	strace $0x8FFFFFFF  }
0x98: {  	s19 =	sld [smem:$0x3FDB];
	_ =	sdelay $0x1  }
0x99: {  	s4 =	simm.s32 $_scs_section_size  }
0x9a: {  	s5 =	simm.s32 $_size__tile_overlayer_lowered;
	s6 =	simm.s32 $_tile_overlayer_lowered  }
0x9b: {  	s22 =	simm.s32 $0x1BFF;
	s21 =	sshll.u32 s6, $0x1;
	s3 =	sadd.s32 s4, s19  }
0x9c: {  	s7 =	simm.s32 $0x0;
	s20 =	sshll.u32 s5, $0x1;
	s5 =	sadd.s32 s21, s3  }
0x9d: {  	[timem:s7], [sflag:s22] =	dma.local [hbm:s5], s20  }
0x9e: {  	_ =	swait.ge [sflag:s22], s20  }
0x9f: {  	s4 =	ssub.s32 $0x0, s20;
	[sflag:s22] =	ssyncset.done $0x0  }
0xa0: {  	[sflag:s22] =	ssyncadd.s32 s4;
	_ =	sdelay $0x1  }
0xa1: {  	s23 =	simm.s32 $0x1B8B  }
0xa2: {  	_ =	swait.ge [sflag:s23], $0x1  }
0xa3: {  	[sflag:s23] =	ssyncset.done $0x0  }
0xa4: {  	s25 =	simm.s32 $0x1B8E;
	s24 =	sld [smem:$0x3FFE];
	[sflag:s23] =	ssyncadd.s32 $0xFFFFFFFF  }
0xa5: {  	s26 =	simm.s32 $execute0_lowered;
	[smem:$0x3FD2] =	sst s25  }
0xa6: {  	s5 =	sshll.u32 s26, $0x1;
	_ =	strace $0x80000046;
	[dreg:$0x1] =	wrdreg $0xFFFFFFFF  }
0xa7: {  	s28 =	simm.s32 $_size_execute0_lowered;
	s3 =	sadd.s32 s3, s5;
	[dreg:$0x0] =	wrdreg $0x0  }
0xa8: {  	s5 =	sshll.u32 s28, $0x1;
	[dreg:$0x2] =	wrdreg s3  }
0xa9: {  	[dreg:$0x3] =	wrdreg s5  }
0xaa: {  	[dreg:$0x4] =	wrdreg $0xC0  }
0xab: {  	_ =	task [dreg:s7], $0x5FFFF  }
0xac: {  	[dreg:$0x1] =	wrdreg $0xFFFFFFFF  }
0xad: {  	[dreg:$0x0] =	wrdreg $0x60  }
0xae: {  	[dreg:$0x2] =	wrdreg s24  }
0xaf: {  	[dreg:$0x3] =	wrdreg s2  }
0xb0: {  	[dreg:$0x4] =	wrdreg $0x68000  }
0xb1: {  	[dreg:$0x5] =	wrdreg $0x9  }
0xb2: {  	_ =	task.clear_ibuf [dreg:s7], $0x6FFFF;
	_ =	strace $0x90000046  }
0xb3: {  	s29 =	simm.s32 $0x9;
	_ =	strace $0x80000048  }
0xb4: {  	_ =	swait.ge [sflag:s29], $0x1  }
0xb5: {  	[sflag:s29] =	ssyncadd.s32 $0xFFFFFFFF  }
0xb6: {  	_ =	strace $0x90000048  }
0xb7: {  	_ =	sfence  }
0xb8: {  	s30 =	sld [smem:$0x0];
	_ =	sdelay $0x2  }
0xb9: {  	s31 =	sshll.u32 s1, $0xD;
	s1 =	sshrl.u32 s1, $0x2  }
0xba: {  	s3 =	sand.u32 $0x4000, s31;
	s1 =	sadd.s32 s1, s30  }
0xbb: {  	s0 =	sor.u32 s3, s0;
	s1 =	sshll.u32 s1, $0x11  }
0xbc: {  	s0 =	sor.u32 s1, s0  }
0xbd: {  	s0 =	sadd.s32 $0x8F2B, s0  }
0xbe: {  	[sflag:s0] =	ssyncadd.remote.s32 $0x1  }
0xbf: {  	_ =	sfence.sel $0xFFFF  }
0xc0: {  	[dreg:$0x0] =	wrdreg $0xFFFFFFFF;
	(pc) =	sbr.abs _section_cstart, $3  }
0xc1: {  	[dreg:$0x1] =	wrdreg $0xFFFFFFFF  }
0xc2: {  	_ =	task.clear_ibuf [dreg:s7], $0x2FFFF;
	_ =	strace $0x9FFFFFFF  }
0xc3: {  	(tm) =	ssettm $0x7FFFFFFF  }
tec
execute0_lowered:
.L_overlay_start_1:
0x0: {  	(tag) =	ssettag $0x1  }
0x1: {  	s5 =	rddreg [dreg:$0x0]  }
0x2: {  	s1 =	srdreg.scid;
	s2 =	rddreg [dreg:$0x1]  }
0x3: {  	s0 =	stileid.u32;
	s3 =	rddreg [dreg:$0x2];
	s4 =	simm.s32 $0x0  }
0x4: {  	s12 =	simm.s32 $0x2800;
	s13 =	simm.s32 $0x80;
	s14 =	simm.s32 $0x0  }
0x5: {  	s6 =	sand.u32 $0x1, s1;
	s1 =	rddreg [dreg:$0x3];
	s8 =	smul.u32 $0x2800, s0  }
0x6: {  	s28 =	sshll.u32 s0, $0x1;
	[smem:$0x7FF] =	sst s4;
	s10 =	smul.u32 $0x50000, s0  }
0x7: {  	s31 =	sshll.u32 s0, $0x6;
	s7 =	sor.u32 s6, s28;
	s9 =	smul.u32 $0x28000, s6  }
0x8: {  	_ =	strace $0x80000047;
	s6 =	ssub.s32 $0x2, s6;
	s7 =	smul.u32 $0x500, s7  }
0x9: {  	s11 =	sadd.s32 s8, s5;
	s29 =	sshrl.u32 s6, $0x1;
	s30 =	sshrl.u32 s10, $0x2  }
0xa: {  	s8 =	sadd.s32 s8, s9;
	s9 =	ssub.s32 s6, s29;
	s10 =	sadd.s32 s30, s3  }
0xb: {  	s6 =	sor.u32 $0x1C01, s31;
	s7 =	sadd.s32 s7, s5;
	s8 =	sadd.s32 s8, s5  }
0xc: {  	s5 =	sadd.s32 $0x16600, s11;
	s9 =	smax.u32 s9, $0x1;
	s10 =	sshrl.u32 s10, $0x3  }
0xd: {  	s11 =	simm.s32 $0x1;
	s7 =	sadd.s32 $0x2600, s7;
	s8 =	sadd.s32 $0x3E600, s8  }
.LBB2_1:
0xe: {  	[spmem:s10], [sflag:s6] =	dma.local [hbm:s5], $0x2800  }
0xf: {  	_ =	swait.ge [sflag:s11], $0x2800  }
0x10: {  	[sflag:s11] =	ssyncset.done $0x0  }
0x11: {  	[sflag:s11] =	ssyncadd.s32 $0xFFFFD800  }
0x12: {  	[tilespmem:s12], [sflag:$0x1] =	stream.linear.gather [hbm4b:s2+s4], $0x4000, $0x38;
	[tilespmem:$0x1A800] =	vst v63  }
0x13: {  	_ =	swait.ge [sflag:s11], $0x4000  }
0x14: {  	[sflag:s11] =	ssyncset.done $0x0  }
0x15: {  	[sflag:s11] =	ssyncadd.s32 $0xFFFFC000  }
0x16: {  	[tilespmem:s4], [sflag:$0x1] =	stream.linear.gather [hbm4b:s7+s4], $0x2800, $0x38;
	[tilespmem:$0x1A800] =	vst v63  }
0x17: {  	_ =	swait.ge [sflag:s11], $0x2800  }
0x18: {  	[sflag:s11] =	ssyncset.done $0x0  }
0x19: {  	[sflag:s11] =	ssyncadd.s32 $0xFFFFD800  }
0x1a: {  	s15 =	simm.s32 $0x0;
	[bflag:$0x0] =	sbarrier.arrive $0xFFFF  }
0x1b: {  	[spmem:s3] =	stream.indirect.scatter.add.f32 [tilespmem:s12], [sflag:$0x1], $0x80, s15, s13, $0xb8;
	[tilespmem:$0x1A800] =	vst v63  }
0x1c: {  	_ =	swait.ge [sflag:s11], $0x4000  }
0x1d: {  	s15 =	simm.s32 $0x200;
	[sflag:s11] =	ssyncset.done $0x0  }
.LBB2_2:
0x1e: {  	s16 =	sshra.s32 s15, $0x2;
	[sflag:s11] =	ssyncadd.s32 $0xFFFFC000;
	p0 =	sne.s32 s15, $0x9E00  }
0x1f: {  	[spmem:s3] =	stream.indirect.scatter.add.f32 [tilespmem:s12], [sflag:$0x1], $0x80, s16, s13, $0xb8;
	[tilespmem:$0x1A800] =	vst v63  }
.Ltmp0:
0x20: {  	_ = 	snop;
	(pc) =	sbr.rel @p0 .LBB2_2-.Ltmp0, $4  }
0x21: {  	_ = 	snop  }
0x22: {  	s15 =	sadd.s32 $0x200, s15  }
0x23: {  	_ =	swait.ge [sflag:s11], $0x4000  }
0x24: {  	[sflag:s11] =	ssyncset.done $0x0  }
0x25: {  	s14 =	sadd.s32 $0x1, s14  }
0x26: {  	[sflag:s11] =	ssyncadd.s32 $0xFFFFC000;
	p0 =	sne.s32 s14, s9  }
.Ltmp1:
0x27: {  	[bflag:$0x0] =	sbarrier.arrive $0xFFFF;
	(pc) =	sbr.rel @p0 .LBB2_1-.Ltmp1, $4  }
0x28: {  	[hbm:s8], [sflag:s6] =	dma.local [spmem:s10], $0x2800  }
0x29: {  	_ =	swait.ge [sflag:s11], $0x2800  }
0x2a: {  	[sflag:s11] =	ssyncset.done $0x0  }
0x2b: {  	[sflag:s11] =	ssyncadd.s32 $0xFFFFD800  }
0x2c: {  	_ =	sfence.sel $0x180000  }
0x2d: {  	[bflag:$0x0] =	sbarrier.arrive $0xFFFF  }
0x2e: {  	p0 =	sne.s32 s0, $0x0;
	_ =	strace $0x90000047  }
0x2f: {  	s0 =	sadd.s32 @!p0 $0x100000, s1;
	[bflag:$0x2] =	sbarrier.arrive $0xFFFF  }
0x30: {  	[sflag:s0] =	ssyncadd.tile.s32 @!p0 $0x1;
	_ =	shalt  }
.Lfunc_end2:
_tile_overlayer_lowered:
.L_overlay_start_2:
0x31: {  	(tag) =	ssettag $0x2  }
0x32: {  	s0 =	rddreg [dreg:$0x0];
	s2 =	stileid.u32  }
0x33: {  	s1 =	rddreg [dreg:$0x1];
	p0 =	sne.s32 s2, $0x0  }
0x34: {  	s3 =	rddreg [dreg:$0x2];
	[bflag:$0x3] =	sbarrier.arrive $0xFFFF;
	s2 =	simm.s32 @!p0 $0x1C01  }
0x35: {  	[timem:s3], [sflag:s2] =	dma.local @!p0 [hbm:s0], s1  }
0x36: {  	s0 =	simm.s32 @!p0 $0x1  }
0x37: {  	_ =	swait.ge @!p0 [sflag:s0], s1  }
0x38: {  	s1 =	ssub.s32 @!p0 $0x0, s1;
	[sflag:s0] =	ssyncset.done @!p0 $0x0  }
0x39: {  	[sflag:s0] =	ssyncadd.s32 @!p0 s1  }
0x3a: {  	[bflag:$0x3] =	sbarrier.arrive $0xFFFF  }
0x3b: {  	_ =	shalt  }

// kernel: kernel.9.cloned.1.call-start
scs
__scs_entry_jumppad:
0x0: {  	(pc) =	sbr.rel $0x88, $3  }
0x1: {  	(tag) =	ssettag $0x0;
	lr =	simm.s32 $0x1  }
0x2: {  	[smem:$0x3F9B] =	sst lr;
	_ =	strace $0xD0000000  }
0x3: {  	_ = 	snop  }
0x4: {  	_ = 	snop  }
0x5: {  	_ = 	snop  }
0x6: {  	_ = 	snop  }
0x7: {  	_ = 	snop  }
__scs_overlays_trampoline_lowered:
0x8: {  	[smem:$0x3FAA] =	sst s0  }
0x9: {  	[smem:$0x3FAB] =	sst s1  }
0xa: {  	[smem:$0x3FAC] =	sst s2  }
0xb: {  	[smem:$0x3FAD] =	sst s3  }
0xc: {  	[smem:$0x3FAE] =	sst s4  }
0xd: {  	[smem:$0x3FAF] =	sst s5  }
0xe: {  	[smem:$0x3FB0] =	sst s6  }
0xf: {  	[smem:$0x3FB1] =	sst s7  }
0x10: {  	[smem:$0x3FB2] =	sst s8  }
0x11: {  	[smem:$0x3FB3] =	sst s9;
	s0 =	simm.s32 @!p0 $0x0  }
0x12: {  	s1 =	sld [smem:$0x3F99];
	s0 =	simm.s32 @p0 $0x1  }
0x13: {  	[smem:$0x3FB4] =	sst s0;
	s0 =	simm.s32 @!p1 $0x0  }
0x14: {  	s2 =	sld [smem:$0x3F98];
	s0 =	simm.s32 @p1 $0x1  }
0x15: {  	[smem:$0x3FB5] =	sst s0;
	s0 =	simm.s32 @!p2 $0x0  }
0x16: {  	s3 =	sld [smem:$0x3FDB];
	s0 =	simm.s32 @p2 $0x1  }
0x17: {  	s4 =	simm.s32 $0x1BF5;
	[smem:$0x3FB7] =	sst s0  }
0x18: {  	s0 =	sld [smem:$0x3F9A];
	_ =	swait.ge [sflag:s4], $0x0  }
0x19: {  	s7 =	sld [smem:$0x3F9B]  }
0x1a: {  	s8 =	sadd.s32 $0xFFFFE003, lr  }
0x1b: {  	s9 =	sadd.s32 $0xFFFFFEF7, lr;
	s5 =	simm.s32 $0xFFFFFFFF;
	p2 =	slt.u32 s8, $0xFFFFF086  }
0x1c: {  	p1 =	slt.u32 s9, $0xF7A;
	s5 =	simm.s32 @!p2 $0x0  }
0x1d: {  	s5 =	simm.s32 @p1 $0x1;
	p0 =	seq.s32 s7, s2  }
0x1e: {  	s7 =	smul.u32 @!p0 $0xF7A, s2;
	p2 =	seq.s32 @!p0 s5, $0x0  }
0x1f: {  	s9 =	smul.u32 $0xF7A, s1;
	s8 =	simm.s32 @!p0 $0x1BF5;
	p2 =	por !p2, p0  }
0x20: {  	[sflag:s8] =	ssyncset.s32 @!p0 $0xFFFFF086;
	s6 =	sadd.s32 @!p0 s3, s7;
	s7 =	simm.s32 @!p0 $0x108  }
0x21: {  	s3 =	sadd.s32 s3, s9;
	s6 =	sadd.s32 @!p0 $0x88, s6;
	s7 =	simm.s32 @p2 $0x1082  }
0x22: {  	[simem:s7], [sflag:s8] =	dma.local @!p0 [hbm:s6], $0xF7A  }
0x23: {  	s9 =	sor.u32 $0xD0000000, s2;
	s6 =	simm.s32 $0x108;
	_ =	swait.ge @!p0 [sflag:s8], $0x0  }
0x24: {  	s3 =	sadd.s32 $0x88, s3;
	s6 =	simm.s32 @!p1 $0x1082;
	[sflag:s4] =	ssyncset.s32 $0xFFFFF086  }
0x25: {  	[simem:s6], [sflag:s4] =	dma.local [hbm:s3], $0xF7A  }
0x26: {  	[smem:$0x3F9B] =	sst s1;
	(tag) =	ssettag s2;
	_ =	strace s9  }
0x27: {  	s1 =	sld [smem:$0x3FAB]  }
0x28: {  	s2 =	sld [smem:$0x3FAC]  }
0x29: {  	s4 =	sld [smem:$0x3FAE]  }
0x2a: {  	p0 =	seq.s32 s5, $0x0;
	s5 =	sld [smem:$0x3FAF]  }
0x2b: {  	s6 =	sld [smem:$0x3FB0]  }
0x2c: {  	s7 =	sld [smem:$0x3FB1]  }
0x2d: {  	s3 =	simm.s32 $0x108;
	s8 =	sld [smem:$0x3FB2]  }
0x2e: {  	s3 =	simm.s32 @!p0 $0x1082;
	s9 =	sld [smem:$0x3FB3]  }
0x2f: {  	lr =	sadd.s32 s0, s3;
	s0 =	sld [smem:$0x3FAA]  }
0x30: {  	s3 =	sld [smem:$0x3FAD]  }
0x31: {  	[smem:$0x3FB6] =	sst s10  }
0x32: {  	s10 =	sld [smem:$0x3FB4];
	_ =	sdelay $0x3  }
0x33: {  	p0 =	seq.s32 s10, $0x1;
	s10 =	sld [smem:$0x3FB6];
	_ =	sdelay $0x3  }
0x34: {  	[smem:$0x3FB6] =	sst s10  }
0x35: {  	s10 =	sld [smem:$0x3FB5];
	_ =	sdelay $0x3  }
0x36: {  	p1 =	seq.s32 s10, $0x1;
	s10 =	sld [smem:$0x3FB6];
	_ =	sdelay $0x3  }
0x37: {  	[smem:$0x3FB6] =	sst s10  }
0x38: {  	s10 =	sld [smem:$0x3FB7]  }
0x39: {  	_ = 	snop;
	(pc) =	sbr.ind lr, $3  }
0x3a: {  	_ = 	snop  }
0x3b: {  	_ = 	snop  }
0x3c: {  	p2 =	seq.s32 s10, $0x1;
	s10 =	sld [smem:$0x3FB6]  }
0x3d: {  	_ =	shalt  }
0x3e: {  	_ =	shalt  }
0x3f: {  	_ =	shalt  }
0x40: {  	_ =	shalt  }
0x41: {  	_ =	shalt  }
0x42: {  	_ =	shalt  }
0x43: {  	_ =	shalt  }
0x44: {  	_ =	shalt  }
0x45: {  	_ =	shalt  }
0x46: {  	_ =	shalt  }
0x47: {  	_ =	shalt  }
0x48: {  	_ =	shalt  }
0x49: {  	_ =	shalt  }
0x4a: {  	_ =	shalt  }
0x4b: {  	_ =	shalt  }
0x4c: {  	_ =	shalt  }
0x4d: {  	_ =	shalt  }
0x4e: {  	_ =	shalt  }
0x4f: {  	_ =	shalt  }
0x50: {  	_ =	shalt  }
0x51: {  	_ =	shalt  }
0x52: {  	_ =	shalt  }
0x53: {  	_ =	shalt  }
0x54: {  	_ =	shalt  }
0x55: {  	_ =	shalt  }
0x56: {  	_ =	shalt  }
0x57: {  	_ =	shalt  }
0x58: {  	_ =	shalt  }
0x59: {  	_ =	shalt  }
0x5a: {  	_ =	shalt  }
0x5b: {  	_ =	shalt  }
0x5c: {  	_ =	shalt  }
0x5d: {  	_ =	shalt  }
0x5e: {  	_ =	shalt  }
0x5f: {  	_ =	shalt  }
0x60: {  	_ =	shalt  }
0x61: {  	_ =	shalt  }
0x62: {  	_ =	shalt  }
0x63: {  	_ =	shalt  }
0x64: {  	_ =	shalt  }
0x65: {  	_ =	shalt  }
0x66: {  	_ =	shalt  }
0x67: {  	_ =	shalt  }
0x68: {  	_ =	shalt  }
0x69: {  	_ =	shalt  }
0x6a: {  	_ =	shalt  }
0x6b: {  	_ =	shalt  }
0x6c: {  	_ =	shalt  }
0x6d: {  	_ =	shalt  }
0x6e: {  	_ =	shalt  }
0x6f: {  	_ =	shalt  }
0x70: {  	_ =	shalt  }
0x71: {  	_ =	shalt  }
0x72: {  	_ =	shalt  }
0x73: {  	_ =	shalt  }
0x74: {  	_ =	shalt  }
0x75: {  	_ =	shalt  }
0x76: {  	_ =	shalt  }
0x77: {  	_ =	shalt  }
0x78: {  	_ =	shalt  }
0x79: {  	_ =	shalt  }
0x7a: {  	_ =	shalt  }
0x7b: {  	_ =	shalt  }
0x7c: {  	_ =	shalt  }
0x7d: {  	_ =	shalt  }
0x7e: {  	_ =	shalt  }
0x7f: {  	_ =	shalt  }
0x80: {  	_ =	shalt  }
0x81: {  	_ =	shalt  }
0x82: {  	_ =	shalt  }
0x83: {  	_ =	shalt  }
0x84: {  	_ =	shalt  }
0x85: {  	_ =	shalt  }
0x86: {  	_ =	shalt  }
0x87: {  	_ =	shalt  }
.Lfunc_end0:
.L_simem_size_0:
called_computation.1_lowered:
.L_overlay_start_0:
0x88: {  	s2 =	sld [smem:$0x3FD9]  }
0x89: {  	s3 =	sld [smem:$0x3FFE];
	_ =	sdelay $0x1  }
0x8a: {  	s1 =	srdreg.scid  }
0x8b: {  	s0 =	sand.u32 $0x1, s1  }
0x8c: {  	s16 =	sshll.u32 s0, $0xA;
	s2 =	sadd.s32 s3, s2  }
0x8d: {  	s2 =	sadd.s32 s2, s16  }
0x8e: {  	[smem:$0x3FC2] =	sst s2  }
0x8f: {  	_ = 	snop  }
0x90: {  	(tm) =	ssettm $0x1  }
0x91: {  	s17 =	sld [smem:$0x3FFB];
	_ =	sdelay $0x3  }
0x92: {  	_ =	strace s17  }
0x93: {  	s2 =	sld [smem:$0x3FFC];
	_ =	sdelay $0x3  }
0x94: {  	_ =	strace s2  }
0x95: {  	s2 =	sld [smem:$0x3FFD];
	_ =	sdelay $0x3  }
0x96: {  	_ =	strace s2  }
0x97: {  	_ =	strace $0x8FFFFFFF  }
0x98: {  	s18 =	sld [smem:$0x3FDB];
	_ =	sdelay $0x1  }
0x99: {  	s19 =	simm.s32 $_scs_section_size  }
0x9a: {  	s4 =	simm.s32 $_size__tile_overlayer_lowered;
	s5 =	simm.s32 $_tile_overlayer_lowered  }
0x9b: {  	s22 =	simm.s32 $0x1BFF;
	s21 =	sshll.u32 s5, $0x1;
	s2 =	sadd.s32 s19, s18  }
0x9c: {  	s6 =	simm.s32 $0x0;
	s20 =	sshll.u32 s4, $0x1;
	s4 =	sadd.s32 s21, s2  }
0x9d: {  	[timem:s6], [sflag:s22] =	dma.local [hbm:s4], s20  }
0x9e: {  	_ =	swait.ge [sflag:s22], s20  }
0x9f: {  	s3 =	ssub.s32 $0x0, s20;
	[sflag:s22] =	ssyncset.done $0x0  }
0xa0: {  	[sflag:s22] =	ssyncadd.s32 s3;
	_ =	sdelay $0x1  }
0xa1: {  	s23 =	simm.s32 $0x1B8B  }
0xa2: {  	_ =	swait.ge [sflag:s23], $0x1  }
0xa3: {  	[sflag:s23] =	ssyncset.done $0x0  }
0xa4: {  	s25 =	simm.s32 $0x1B8E;
	s24 =	sld [smem:$0x3FFE];
	[sflag:s23] =	ssyncadd.s32 $0xFFFFFFFF  }
0xa5: {  	s26 =	simm.s32 $execute0_lowered;
	[smem:$0x3FD2] =	sst s25  }
0xa6: {  	s4 =	sshll.u32 s26, $0x1;
	_ =	strace $0x80000049;
	[dreg:$0x1] =	wrdreg $0xFFFFFFFF  }
0xa7: {  	s28 =	simm.s32 $_size_execute0_lowered;
	s2 =	sadd.s32 s2, s4;
	[dreg:$0x0] =	wrdreg $0x0  }
0xa8: {  	s4 =	sshll.u32 s28, $0x1;
	[dreg:$0x2] =	wrdreg s2  }
0xa9: {  	[dreg:$0x3] =	wrdreg s4  }
0xaa: {  	[dreg:$0x4] =	wrdreg $0xC0  }
0xab: {  	_ =	task [dreg:s6], $0x5FFFF  }
0xac: {  	[dreg:$0x1] =	wrdreg $0xFFFFFFFF  }
0xad: {  	[dreg:$0x0] =	wrdreg $0x60  }
0xae: {  	[dreg:$0x2] =	wrdreg s24  }
0xaf: {  	[dreg:$0x3] =	wrdreg $0xA0000  }
0xb0: {  	[dreg:$0x4] =	wrdreg $0x9  }
0xb1: {  	_ =	task.clear_ibuf [dreg:s6], $0x5FFFF;
	_ =	strace $0x90000049  }
0xb2: {  	s29 =	simm.s32 $0x9;
	_ =	strace $0x8000004B  }
0xb3: {  	_ =	swait.ge [sflag:s29], $0x1  }
0xb4: {  	[sflag:s29] =	ssyncadd.s32 $0xFFFFFFFF  }
0xb5: {  	_ =	strace $0x9000004B  }
0xb6: {  	_ =	sfence  }
0xb7: {  	s30 =	sld [smem:$0x0];
	_ =	sdelay $0x2  }
0xb8: {  	s31 =	sshll.u32 s1, $0xD;
	s1 =	sshrl.u32 s1, $0x2  }
0xb9: {  	s3 =	sand.u32 $0x4000, s31;
	s1 =	sadd.s32 s1, s30  }
0xba: {  	s0 =	sor.u32 s3, s0;
	s1 =	sshll.u32 s1, $0x11  }
0xbb: {  	s0 =	sor.u32 s1, s0  }
0xbc: {  	s0 =	sadd.s32 $0x8F2B, s0  }
0xbd: {  	[sflag:s0] =	ssyncadd.remote.s32 $0x1  }
0xbe: {  	_ =	sfence.sel $0xFFFF  }
0xbf: {  	[dreg:$0x0] =	wrdreg $0xFFFFFFFF;
	(pc) =	sbr.abs _section_cstart, $3  }
0xc0: {  	[dreg:$0x1] =	wrdreg $0xFFFFFFFF  }
0xc1: {  	_ =	task.clear_ibuf [dreg:s6], $0x2FFFF;
	_ =	strace $0x9FFFFFFF  }
0xc2: {  	(tm) =	ssettm $0x7FFFFFFF  }
0xc3: {  	_ =	shalt  }
tec
execute0_lowered:
.L_overlay_start_1:
0x0: {  	(tag) =	ssettag $0x1  }
0x1: {  	s7 =	rddreg [dreg:$0x0]  }
0x2: {  	s2 =	rddreg [dreg:$0x1];
	s3 =	simm.s32 $0x0;
	s1 =	stileid.u32  }
0x3: {  	s4 =	srdreg.scid;
	s14 =	simm.s32 $0x1000;
	s15 =	simm.s32 $0x80  }
0x4: {  	s16 =	simm.s32 $0x2000;
	s17 =	simm.s32 $0x6000;
	s18 =	simm.s32 $0x1  }
0x5: {  	s19 =	simm.s32 $0x3;
	s20 =	simm.s32 $0x100;
	s21 =	simm.s32 $0x2  }
0x6: {  	s22 =	simm.s32 $0x1080;
	s23 =	simm.s32 $0x4;
	s28 =	simm.s32 $0x0  }
0x7: {  	[smem:$0x7FF] =	sst s3;
	s8 =	smul.u32 $0x2800, s1;
	s24 =	sand.u32 $0x1, s4  }
0x8: {  	s4 =	sadd.s32 $0xC600, s7;
	s5 =	sadd.s32 $0x2600, s7;
	s6 =	sadd.s32 $0x65800, s7  }
0x9: {  	s29 =	smul.u32 $0x50000, s1;
	s30 =	sshll.u32 s1, $0xC;
	s31 =	sshll.u32 s1, $0x6  }
0xa: {  	_ =	strace $0x8000004A;
	s9 =	smul.u32 $0x28000, s24;
	s25 =	ssub.s32 $0x2, s24  }
0xb: {  	p0 =	seq.s32 s24, $0x0;
	s10 =	sadd.s32 s8, s7;
	s26 =	sshrl.u32 s25, $0x1  }
0xc: {  	s8 =	sadd.s32 s8, s9;
	s12 =	ssub.s32 s25, s26;
	s9 =	sshll.u32 s1, $0xE  }
0xd: {  	s25 =	simm.s32 $0x1F00;
	s11 =	sadd.s32 s8, s7;
	s7 =	sor.u32 $0x40000, s30  }
0xe: {  	s26 =	simm.s32 $0x1F80;
	s8 =	sshrl.u32 s29, $0x2;
	s7 =	smov.u32 @p0 s9  }
0xf: {  	s13 =	sadd.s32 s8, s2;
	s8 =	sadd.s32 $0x16600, s10;
	s9 =	sor.u32 $0x1C05, s31  }
0x10: {  	s10 =	sadd.s32 $0x8D800, s11;
	s11 =	smax.u32 s12, $0x1;
	p0 =	sne.s32 s24, $0x0  }
0x11: {  	s24 =	simm.s32 $0xF80;
	s12 =	sshrl.u32 s13, $0x3;
	s13 =	simm.s32 $0x5  }
.LBB2_1:
0x12: {  	[spmem:s12], [sflag:s9] =	dma.local [hbm:s8], $0x2800  }
0x13: {  	_ =	swait.ge [sflag:s13], $0x2800  }
0x14: {  	[sflag:s13] =	ssyncset.done $0x0  }
0x15: {  	[sflag:s13] =	ssyncadd.s32 $0xFFFFD800  }
0x16: {  	s29 =	simm.s32 $0x0;
	[bflag:$0x0] =	sbarrier.arrive $0xFFFF  }
.LBB2_2:
0x17: {  	s30 =	sshll.u32 s29, $0xC  }
0x18: {  	s30 =	sadd.s32 s7, s30  }
0x19: {  	s30 =	sshrl.u32 s30, $0x3  }
0x1a: {  	s31 =	sadd.s32 s4, s30  }
0x1b: {  	[tilespmem:s3], [sflag:$0x5] =	stream.linear.gather [hbm4b:s31+s3], $0x1000, $0x38;
	[tilespmem:$0x1E000] =	vst v63  }
0x1c: {  	_ =	swait.ge [sflag:s13], $0x1000  }
0x1d: {  	[sflag:s13] =	ssyncset.done $0x0  }
0x1e: {  	s30 =	sadd.s32 s5, s30;
	[sflag:s13] =	ssyncadd.s32 $0xFFFFF000  }
0x1f: {  	[tilespmem:s14], [sflag:$0x5] =	stream.linear.gather [hbm4b:s30+s3], $0x1000, $0x38;
	[tilespmem:$0x1E000] =	vst v63  }
0x20: {  	_ =	swait.ge [sflag:s13], $0x1000  }
0x21: {  	[sflag:s13] =	ssyncset.done $0x0  }
0x22: {  	[sflag:s13] =	ssyncadd.s32 $0xFFFFF000  }
0x23: {  	[tilespmem:s16], [sflag:$0x1] =	stream.indirect.gather [hbm4b:s6+s15], $0x80, s3, s15, $0xb8;
	[tilespmem:$0x1E000] =	vst v63  }
0x24: {  	_ = 	snop  }
0x25: {  	[tilespmem:s17], [sflag:$0x2] =	stream.indirect.gather [hbm4b:s6+s15], $0x80, s15, s15, $0xb8;
	[tilespmem:$0x1E000] =	vst v63  }
0x26: {  	_ =	swait.ge [sflag:s18], $0x4000  }
0x27: {  	[sflag:s18] =	ssyncset.done $0x0  }
0x28: {  	[sflag:s18] =	ssyncadd.s32 $0xFFFFC000  }
0x29: {  	[spmem:s2] =	stream.indirect.scatter.add.f32 [tilespmem:s16], [sflag:$0x3], $0x80, s14, s15, $0xb8;
	[tilespmem:$0x1E000] =	vst v63  }
0x2a: {  	_ =	swait.ge [sflag:s19], $0x4000  }
0x2b: {  	[sflag:s19] =	ssyncset.done $0x0  }
0x2c: {  	[sflag:s19] =	ssyncadd.s32 $0xFFFFC000  }
0x2d: {  	[tilespmem:s16], [sflag:$0x1] =	stream.indirect.gather [hbm4b:s6+s15], $0x80, s20, s15, $0xb8;
	[tilespmem:$0x1E000] =	vst v63  }
0x2e: {  	_ =	swait.ge [sflag:s21], $0x4000  }
0x2f: {  	[sflag:s21] =	ssyncset.done $0x0  }
0x30: {  	[sflag:s21] =	ssyncadd.s32 $0xFFFFC000  }
0x31: {  	[spmem:s2] =	stream.indirect.scatter.add.f32 [tilespmem:s17], [sflag:$0x4], $0x80, s22, s15, $0xb8;
	[tilespmem:$0x1E000] =	vst v63  }
0x32: {  	_ =	swait.ge [sflag:s23], $0x4000  }
0x33: {  	[sflag:s23] =	ssyncset.done $0x0  }
0x34: {  	s30 =	simm.s32 $0x180;
	[sflag:s23] =	ssyncadd.s32 $0xFFFFC000  }
0x35: {  	[tilespmem:s17], [sflag:$0x2] =	stream.indirect.gather [hbm4b:s6+s15], $0x80, s30, s15, $0xb8;
	[tilespmem:$0x1E000] =	vst v63  }
0x36: {  	_ =	swait.ge [sflag:s18], $0x4000  }
0x37: {  	[sflag:s18] =	ssyncset.done $0x0  }
0x38: {  	s30 =	simm.s32 $0x1100;
	[sflag:s18] =	ssyncadd.s32 $0xFFFFC000  }
0x39: {  	[spmem:s2] =	stream.indirect.scatter.add.f32 [tilespmem:s16], [sflag:$0x3], $0x80, s30, s15, $0xb8;
	[tilespmem:$0x1E000] =	vst v63  }
0x3a: {  	_ =	swait.ge [sflag:s19], $0x4000  }
0x3b: {  	[sflag:s19] =	ssyncset.done $0x0  }
0x3c: {  	s30 =	simm.s32 $0x200;
	[sflag:s19] =	ssyncadd.s32 $0xFFFFC000  }
0x3d: {  	[tilespmem:s16], [sflag:$0x1] =	stream.indirect.gather [hbm4b:s6+s15], $0x80, s30, s15, $0xb8;
	[tilespmem:$0x1E000] =	vst v63  }
0x3e: {  	_ =	swait.ge [sflag:s21], $0x4000  }
0x3f: {  	[sflag:s21] =	ssyncset.done $0x0  }
0x40: {  	s31 =	simm.s32 $0x1180;
	s30 =	simm.s32 $0xFFFFCC00;
	[sflag:s21] =	ssyncadd.s32 $0xFFFFC000  }
.LBB2_3:
0x41: {  	[spmem:s2] =	stream.indirect.scatter.add.f32 [tilespmem:s17], [sflag:$0x4], $0x80, s31, s15, $0xb8;
	[tilespmem:$0x1E000] =	vst v63  }
0x42: {  	s31 =	smov.u32 s30  }
0x43: {  	p1 =	sne.s32 s30, $0xFFFFFC00;
	s30 =	sadd.s32 $0x400, s30;
	_ =	swait.ge [sflag:s23], $0x4000  }
0x44: {  	s31 =	sshra.s32 s31, $0x2;
	[sflag:s23] =	ssyncset.done $0x0  }
0x45: {  	s0 =	sadd.s32 $0xF80, s31;
	[sflag:s23] =	ssyncadd.s32 $0xFFFFC000  }
0x46: {  	[tilespmem:s17], [sflag:$0x2] =	stream.indirect.gather [hbm4b:s6+s15], $0x80, s0, s15, $0xb8;
	[tilespmem:$0x1E000] =	vst v63  }
0x47: {  	_ =	swait.ge [sflag:s18], $0x4000  }
0x48: {  	[sflag:s18] =	ssyncset.done $0x0  }
0x49: {  	s0 =	sadd.s32 $0x1F00, s31;
	[sflag:s18] =	ssyncadd.s32 $0xFFFFC000  }
0x4a: {  	[spmem:s2] =	stream.indirect.scatter.add.f32 [tilespmem:s16], [sflag:$0x3], $0x80, s0, s15, $0xb8;
	[tilespmem:$0x1E000] =	vst v63  }
0x4b: {  	_ =	swait.ge [sflag:s19], $0x4000  }
0x4c: {  	[sflag:s19] =	ssyncset.done $0x0  }
.Ltmp0:
0x4d: {  	s0 =	sadd.s32 $0x1000, s31;
	[sflag:s19] =	ssyncadd.s32 $0xFFFFC000;
	(pc) =	sbr.rel @p1 .LBB2_3-.Ltmp0, $4  }
0x4e: {  	[tilespmem:s16], [sflag:$0x1] =	stream.indirect.gather [hbm4b:s6+s15], $0x80, s0, s15, $0xb8;
	[tilespmem:$0x1E000] =	vst v63  }
0x4f: {  	_ =	swait.ge [sflag:s21], $0x4000  }
0x50: {  	[sflag:s21] =	ssyncset.done $0x0  }
0x51: {  	s31 =	sadd.s32 $0x1F80, s31;
	[sflag:s21] =	ssyncadd.s32 $0xFFFFC000  }
0x52: {  	[spmem:s2] =	stream.indirect.scatter.add.f32 [tilespmem:s17], [sflag:$0x4], $0x80, s31, s15, $0xb8;
	[tilespmem:$0x1E000] =	vst v63  }
0x53: {  	_ =	swait.ge [sflag:s23], $0x4000  }
0x54: {  	[sflag:s23] =	ssyncset.done $0x0  }
0x55: {  	[sflag:s23] =	ssyncadd.s32 $0xFFFFC000  }
0x56: {  	[tilespmem:s17], [sflag:$0x2] =	stream.indirect.gather [hbm4b:s6+s15], $0x80, s24, s15, $0xb8;
	[tilespmem:$0x1E000] =	vst v63  }
0x57: {  	_ =	swait.ge [sflag:s18], $0x4000  }
0x58: {  	[sflag:s18] =	ssyncset.done $0x0  }
0x59: {  	[sflag:s18] =	ssyncadd.s32 $0xFFFFC000  }
0x5a: {  	[spmem:s2] =	stream.indirect.scatter.add.f32 [tilespmem:s16], [sflag:$0x3], $0x80, s25, s15, $0xb8;
	[tilespmem:$0x1E000] =	vst v63  }
0x5b: {  	_ =	swait.ge [sflag:s21], $0x4000  }
0x5c: {  	[sflag:s21] =	ssyncset.done $0x0  }
0x5d: {  	p1 =	slt.u32 @!p0 s29, $0x3;
	[sflag:s21] =	ssyncadd.s32 $0xFFFFC000  }
0x5e: {  	[spmem:s2] =	stream.indirect.scatter.add.f32 [tilespmem:s17], [sflag:$0x4], $0x80, s26, s15, $0xb8;
	[tilespmem:$0x1E000] =	vst v63  }
0x5f: {  	p1 =	por p0, !p1;
	_ =	swait.ge [sflag:s19], $0x4000  }
.Ltmp1:
0x60: {  	[sflag:s19] =	ssyncset.done $0x0;
	(pc) =	sbr.rel @!p1 .LBB2_2-.Ltmp1, $4  }
0x61: {  	[sflag:s19] =	ssyncadd.s32 $0xFFFFC000  }
0x62: {  	_ =	swait.ge [sflag:s23], $0x4000  }
0x63: {  	[sflag:s23] =	ssyncset.done $0x0  }
0x64: {  	s29 =	sadd.s32 $0x1, s29;
	[sflag:s23] =	ssyncadd.s32 $0xFFFFC000  }
0x65: {  	s28 =	sadd.s32 $0x1, s28  }
0x66: {  	p1 =	sne.s32 s28, s11  }
.Ltmp2:
0x67: {  	[bflag:$0x0] =	sbarrier.arrive $0xFFFF;
	(pc) =	sbr.rel @p1 .LBB2_1-.Ltmp2, $4  }
0x68: {  	[hbm:s10], [sflag:s9] =	dma.local [spmem:s12], $0x2800  }
0x69: {  	_ =	swait.ge [sflag:s13], $0x2800  }
0x6a: {  	[sflag:s13] =	ssyncset.done $0x0  }
0x6b: {  	[sflag:s13] =	ssyncadd.s32 $0xFFFFD800  }
0x6c: {  	_ =	sfence.sel $0x180000  }
0x6d: {  	[bflag:$0x0] =	sbarrier.arrive $0xFFFF  }
0x6e: {  	_ =	strace $0x9000004A  }
0x6f: {  	[bflag:$0x2] =	sbarrier.arrive $0xFFFF  }
0x70: {  	p0 =	sne.s32 s1, $0x0;
	s0 =	rddreg [dreg:$0x2]  }
0x71: {  	s0 =	sadd.s32 @!p0 $0x100000, s0  }
0x72: {  	[sflag:s0] =	ssyncadd.tile.s32 @!p0 $0x1;
	_ =	shalt  }
.Lfunc_end2:
_tile_overlayer_lowered:
.L_overlay_start_2:
0x73: {  	(tag) =	ssettag $0x2  }
0x74: {  	s0 =	rddreg [dreg:$0x0];
	s2 =	stileid.u32  }
0x75: {  	s1 =	rddreg [dreg:$0x1];
	p0 =	sne.s32 s2, $0x0  }
0x76: {  	s3 =	rddreg [dreg:$0x2];
	[bflag:$0x3] =	sbarrier.arrive $0xFFFF;
	s2 =	simm.s32 @!p0 $0x1C05  }
0x77: {  	[timem:s3], [sflag:s2] =	dma.local @!p0 [hbm:s0], s1  }
0x78: {  	s0 =	simm.s32 @!p0 $0x5  }
0x79: {  	_ =	swait.ge @!p0 [sflag:s0], s1  }
0x7a: {  	s1 =	ssub.s32 @!p0 $0x0, s1;
	[sflag:s0] =	ssyncset.done @!p0 $0x0  }
0x7b: {  	[sflag:s0] =	ssyncadd.s32 @!p0 s1  }
0x7c: {  	[bflag:$0x3] =	sbarrier.arrive $0xFFFF  }
0x7d: {  	_ =	shalt  }

</sc_bundles>
